<compile_context>
chip_gen: v7x
topology: tpu7x:2x2x1
jax: 0.10.2.dev20260603
libtpu: 0.0.44.dev20260713+nightly
codegen_flags: <defaults>
</compile_context>

<pallas_src>
import dataclasses

import jax
import jax.numpy as jnp
from jax import lax
from jax.experimental import pallas as pl
from jax.experimental.pallas import tpu as pltpu
from jax.experimental.pallas import tpu_sc as plsc

NN = 10000
NP = 10240
NE = 320000
CHUNK = 128
TPC = 16
CPT = 160
NEP = TPC * CPT * CHUNK
RPT = NP // TPC
PAD_COL = NN + 8
NG = 64
D = 128

_f32 = jnp.float32
_mesh = plsc.VectorSubcoreMesh(core_axis_name="c", subcore_axis_name="s")



IB = 40


def _deg_kernel(cols_hbm, out_hbm, col_v, hist):
    c = lax.axis_index("c")
    s = lax.axis_index("s")
    w = c * TPC + s

    @pl.loop(0, NP // 16)
    def _(i):
        hist[pl.ds(i * 16, 16)] = jnp.zeros((16,), _f32)

    ones16 = jnp.ones((16,), _f32)

    @pl.loop(0, CPT // IB)
    def _(blk):
        pltpu.sync_copy(cols_hbm.at[w, pl.ds(blk * IB, IB)], col_v)

        @pl.loop(0, IB)
        def _(g):
            @pl.loop(0, CHUNK // 16)
            def _(t):
                idx = col_v[g, pl.ds(t * 16, 16)]
                plsc.addupdate_scatter(hist, [idx], ones16)

    pltpu.sync_copy(hist, out_hbm.at[c, s])


def _deg_call(cols):
    cp = pltpu.CompilerParams()
    if "needs_layout_passes" in pltpu.CompilerParams.__dataclass_fields__:
        cp = dataclasses.replace(cp, needs_layout_passes=False)
    k = pl.kernel(
        _deg_kernel,
        out_type=jax.ShapeDtypeStruct((2, TPC, NP), _f32),
        mesh=_mesh,
        scratch_types=[pltpu.VMEM((IB, CHUNK), jnp.int32),
                       pltpu.VMEM((NP,), _f32)],
        compiler_params=cp,
    )
    return k(cols)


def _agg_kernel(table_hbm, rows_hbm, cols_hbm, out_hbm, row_v, col_v, gb0,
                gb1, sem0, sem1, acc):
    c = lax.axis_index("c")
    s = lax.axis_index("s")
    w = c * TPC + s

    pltpu.sync_copy(table_hbm.at[pl.ds(c * NP + s * RPT, RPT)],
                    acc.at[pl.ds(s * RPT, RPT)])
    plsc.subcore_barrier()

    @pl.loop(0, CPT // IB)
    def _(blk):
        pltpu.sync_copy(rows_hbm.at[w, pl.ds(blk * IB, IB)], row_v)
        pltpu.sync_copy(cols_hbm.at[w, pl.ds(blk * IB, IB)], col_v)
        pltpu.async_copy(table_hbm.at[row_v.at[0]], gb0, sem0)

        @pl.loop(0, IB, step=2)
        def _(g):
            pltpu.make_async_copy(table_hbm.at[row_v.at[g]], gb0, sem0).wait()
            pltpu.async_copy(table_hbm.at[row_v.at[g + 1]], gb1, sem1)
            pltpu.sync_copy(gb0, acc.at[col_v.at[g]], add=True)
            pltpu.make_async_copy(table_hbm.at[row_v.at[g + 1]], gb1,
                                  sem1).wait()

            @pl.when(g + 2 < IB)
            def _():
                pltpu.async_copy(table_hbm.at[row_v.at[g + 2]], gb0, sem0)

            pltpu.sync_copy(gb1, acc.at[col_v.at[g + 1]], add=True)

    plsc.subcore_barrier()
    pltpu.sync_copy(acc.at[pl.ds(s * RPT, RPT)],
                    out_hbm.at[c, pl.ds(s * RPT, RPT)])


def _agg_call(table, rows, cols):
    k = pl.kernel(
        _agg_kernel,
        out_type=jax.ShapeDtypeStruct((2, NP, D), _f32),
        mesh=_mesh,
        scratch_types=[pltpu.VMEM((IB, CHUNK), jnp.int32),
                       pltpu.VMEM((IB, CHUNK), jnp.int32),
                       pltpu.VMEM((CHUNK, D), _f32),
                       pltpu.VMEM((CHUNK, D), _f32),
                       pltpu.SemaphoreType.DMA,
                       pltpu.SemaphoreType.DMA,
                       pltpu.VMEM_SHARED((NP, D), _f32)],
    )
    return k(table, rows, cols)



def _scale_body(x_ref, deg_ref, xs_ref, dinv_ref):
    x = x_ref[...]
    deg = jnp.sum(deg_ref[...], axis=1)[:, :, None] + 1.0
    dinv = lax.rsqrt(deg)
    xs_ref[...] = dinv * x[None, :, :]
    dinv_ref[...] = jnp.broadcast_to(dinv, (2, NP, D))


def _scale_call(x_pad, deg16):
    return pl.pallas_call(
        _scale_body,
        out_shape=[jax.ShapeDtypeStruct((2, NP, D), _f32),
                   jax.ShapeDtypeStruct((2, NP, D), _f32)],
    )(x_pad, deg16)


def _elu(v):
    return jnp.where(v > 0, v, jnp.exp(jnp.minimum(v, 0.0)) - 1.0)


def _mlp_body(s_ref, dinv_ref, W1r, b1r, W2r, W3r, b3r, W4r, u_ref):
    for i, (Wa, ba, Wb) in ((0, (W1r, b1r, W2r)), (1, (W3r, b3r, W4r))):
        d = dinv_ref[i]
        a1 = d * s_ref[i]
        h = _elu(jnp.dot(a1, Wa[...], preferred_element_type=_f32) + ba[...])
        u_ref[i] = d * jnp.dot(h, Wb[...], preferred_element_type=_f32)


def _mlp_call(s1, dinv, W1, b1, W2, W3, b3, W4):
    RB = 1280
    grid = NP // RB
    blk3 = pl.BlockSpec((2, RB, D), lambda i: (0, i, 0))
    return pl.pallas_call(
        _mlp_body,
        grid=(grid,),
        in_specs=[blk3, blk3,
                  pl.BlockSpec((128, 256), lambda i: (0, 0)),
                  pl.BlockSpec((256,), lambda i: (0,)),
                  pl.BlockSpec((256, 128), lambda i: (0, 0)),
                  pl.BlockSpec((128, 256), lambda i: (0, 0)),
                  pl.BlockSpec((256,), lambda i: (0,)),
                  pl.BlockSpec((256, 128), lambda i: (0, 0))],
        out_specs=blk3,
        out_shape=jax.ShapeDtypeStruct((2, NP, D), _f32),
    )(s1, dinv, W1, b1, W2, W3, b3, W4)


def _final_body(s2_ref, dinv_ref, b2r, b4r, batch_ref, Wfc_ref, bfc_ref,
                out_ref):
    h2_td = _elu(dinv_ref[0] * s2_ref[0] + b2r[...])
    h2_bu = _elu(dinv_ref[1] * s2_ref[1] + b4r[...])
    seg = lax.broadcasted_iota(jnp.int32, (NG, NP), 0)
    bm = (batch_ref[...][None, :] == seg).astype(_f32)
    cnt = jnp.sum(bm, axis=1, keepdims=True)
    inv = 1.0 / jnp.maximum(cnt, 1.0)
    p_td = jnp.dot(bm, h2_td, preferred_element_type=_f32) * inv
    p_bu = jnp.dot(bm, h2_bu, preferred_element_type=_f32) * inv
    logits = (jnp.dot(p_td, Wfc_ref[0:D, :], preferred_element_type=_f32)
              + jnp.dot(p_bu, Wfc_ref[D:2 * D, :], preferred_element_type=_f32)
              + bfc_ref[...])
    m = jnp.max(logits, axis=1, keepdims=True)
    lse = jnp.log(jnp.sum(jnp.exp(logits - m), axis=1, keepdims=True)) + m
    out_ref[...] = logits - lse


def _final_call(s2, dinv, b2, b4, batch_pad, Wfc, bfc):
    return pl.pallas_call(
        _final_body,
        out_shape=jax.ShapeDtypeStruct((NG, 4), _f32),
    )(s2, dinv, b2, b4, batch_pad, Wfc, bfc)



def kernel(x, edge_index, BU_edge_index, batch,
           W1, b1, W2, b2, W3, b3, W4, b4, Wfc, bfc):
    i32 = jnp.int32
    pad_e = NEP - NE
    row_td = edge_index[0].astype(i32)
    col_td = edge_index[1].astype(i32)
    row_bu = BU_edge_index[0].astype(i32)
    col_bu = BU_edge_index[1].astype(i32)

    rows = jnp.stack([
        jnp.concatenate([row_td, jnp.full((pad_e,), NN, i32)]),
        jnp.concatenate([row_bu + NP, jnp.full((pad_e,), NP + NN, i32)]),
    ]).reshape(2 * TPC, CPT, CHUNK)
    cols = jnp.stack([
        jnp.concatenate([col_td, jnp.full((pad_e,), PAD_COL, i32)]),
        jnp.concatenate([col_bu, jnp.full((pad_e,), PAD_COL, i32)]),
    ]).reshape(2 * TPC, CPT, CHUNK)

    x_pad = jnp.concatenate([x, jnp.zeros((NP - NN, D), _f32)])
    batch_pad = jnp.concatenate(
        [batch.astype(i32), jnp.full((NP - NN,), NG, i32)])

    deg16 = _deg_call(cols)
    xs, dinv = _scale_call(x_pad, deg16)
    s1 = _agg_call(xs.reshape(2 * NP, D), rows, cols)
    u = _mlp_call(s1, dinv, W1, b1, W2, W3, b3, W4)
    s2 = _agg_call(u.reshape(2 * NP, D), rows, cols)
    return _final_call(s2, dinv, b2, b4, batch_pad, Wfc, bfc)

# --- scband reference (transcript-rebuilt; emitter-appended) ---
"""Pipeline reference for scband-pretrained-gcn-46454366273752 (READ-ONLY COPY).

The authoritative reference and input builder live on the scoring server;
editing this copy changes nothing except your own understanding.
"""

import jax, jax.numpy as jnp
import numpy as np

N_NODES = 10000
N_EDGES = 320000
IN_DIM = 128
HID_DIM = 256
OUT_DIM = 128
NUM_CLASS = 4
NUM_GRAPHS = 64


def _glorot(key, shape):
    fan_in, fan_out = shape[0], shape[1]
    lim = jnp.sqrt(6.0 / (fan_in + fan_out))
    return jax.random.uniform(key, shape, minval=-lim, maxval=lim, dtype=jnp.float32)


def setup_inputs(seed: int = 0) -> dict:
    key = jax.random.key(seed)
    ks = jax.random.split(key, 16)
    x = jax.random.normal(ks[0], (N_NODES, IN_DIM), dtype=jnp.float32)
    edge_index = jax.random.randint(ks[1], (2, N_EDGES), 0, N_NODES, dtype=jnp.int64)
    BU_edge_index = jax.random.randint(ks[2], (2, N_EDGES), 0, N_NODES, dtype=jnp.int64)
    batch = jnp.sort(jax.random.randint(ks[3], (N_NODES,), 0, NUM_GRAPHS, dtype=jnp.int64))
    W1 = _glorot(ks[4], (IN_DIM, HID_DIM)); b1 = jnp.zeros((HID_DIM,), jnp.float32)
    W2 = _glorot(ks[5], (HID_DIM, OUT_DIM)); b2 = jnp.zeros((OUT_DIM,), jnp.float32)
    W3 = _glorot(ks[6], (IN_DIM, HID_DIM)); b3 = jnp.zeros((HID_DIM,), jnp.float32)
    W4 = _glorot(ks[7], (HID_DIM, OUT_DIM)); b4 = jnp.zeros((OUT_DIM,), jnp.float32)
    Wfc = _glorot(ks[8], (OUT_DIM * 2, NUM_CLASS)); bfc = jnp.zeros((NUM_CLASS,), jnp.float32)
    return {"x": x, "edge_index": edge_index, "BU_edge_index": BU_edge_index, "batch": batch,
            "W1": W1, "b1": b1, "W2": W2, "b2": b2, "W3": W3, "b3": b3,
            "W4": W4, "b4": b4, "Wfc": Wfc, "bfc": bfc}


def _gcn_conv(x, edge_index, W, b):
    # PyG GCNConv: add self-loops, symmetric normalization, linear transform, scatter-add
    N = x.shape[0]
    loops = jnp.arange(N, dtype=edge_index.dtype)
    row = jnp.concatenate([edge_index[0], loops])
    col = jnp.concatenate([edge_index[1], loops])
    xw = x @ W
    deg = jnp.zeros((N,), jnp.float32).at[col].add(1.0)
    dinv = jax.lax.rsqrt(deg)  # deg >= 1 due to self-loops
    norm = dinv[row] * dinv[col]
    msg = norm[:, None] * jnp.take(xw, row, axis=0)
    out = jnp.zeros((N, W.shape[1]), jnp.float32).at[col].add(msg)
    return out + b


def _scatter_mean(x, seg, num_segments):
    sums = jax.ops.segment_sum(x, seg, num_segments=num_segments)
    cnts = jax.ops.segment_sum(jnp.ones((x.shape[0],), jnp.float32), seg, num_segments=num_segments)
    return sums / jnp.maximum(cnts, 1.0)[:, None]


def reference(x, edge_index, BU_edge_index, batch, W1, b1, W2, b2, W3, b3, W4, b4, Wfc, bfc):
    # TD branch
    h = _gcn_conv(x, edge_index, W1, b1)
    h = jax.nn.elu(h)
    # dropout is identity in eval mode
    h = _gcn_conv(h, edge_index, W2, b2)
    h = jax.nn.elu(h)
    h = _scatter_mean(h, batch, NUM_GRAPHS)
    # BU branch
    h1 = _gcn_conv(x, BU_edge_index, W3, b3)
    h1 = jax.nn.elu(h1)
    h1 = _gcn_conv(h1, BU_edge_index, W4, b4)
    h1 = jax.nn.elu(h1)
    h1 = _scatter_mean(h1, batch, NUM_GRAPHS)
    out = jnp.concatenate([h, h1], axis=1)
    out = out @ Wfc + bfc
    return jax.nn.log_softmax(out, axis=1)

if __name__ == "__main__":
    import jax
    _d = setup_inputs()
    print(jax.jit(kernel)(*tuple(_d.values())))

</pallas_src>

<mosaic_0001>
#map = affine_map<(d0, d1) -> (0, 0)>
#map1 = affine_map<(d0, d1) -> (0, 0, 0)>
module attributes {stable_mosaic.version = 14 : i64} {
  func.func @_agg_kernel(%arg0: i32, %arg1: i32, %arg2: memref<20480x128xf32, #tpu.memory_space<hbm>>, %arg3: memref<32x160x128xi32, #tpu.memory_space<hbm>>, %arg4: memref<32x160x128xi32, #tpu.memory_space<hbm>>, %arg5: memref<2x10240x128xf32, #tpu.memory_space<hbm>>, %arg6: memref<40x128xi32, #tpu.memory_space<vmem>>, %arg7: memref<40x128xi32, #tpu.memory_space<vmem>>, %arg8: memref<128x128xf32, #tpu.memory_space<vmem>>, %arg9: memref<128x128xf32, #tpu.memory_space<vmem>>, %arg10: memref<!tpu.dma_semaphore, #tpu.memory_space<semaphore_mem>>, %arg11: memref<!tpu.dma_semaphore, #tpu.memory_space<semaphore_mem>>, %arg12: memref<10240x128xf32, #tpu.memory_space<vmem_shared>>) attributes {dimension_semantics = [#tpu.dimension_semantics<core_parallel>, #tpu.dimension_semantics<subcore_parallel>], iteration_bounds = array<i64: 2, 16>, scalar_prefetch = 0 : i64, scratch_operands = 7 : i64, tpu.core_type = #tpu.core_type<sc_vector_subcore>, window_params = [{transform_indices = #map}, {transform_indices = #map1}, {transform_indices = #map1}, {transform_indices = #map1}]} {
    %mul3A = arith.constant 16 : i32
    %mul3A_0 = arith.muli %arg0, %mul3A : i32
    %add3A = arith.addi %mul3A_0, %arg1 : i32
    %mul3A_1 = arith.constant 10240 : i32
    %mul3A_2 = arith.muli %arg0, %mul3A_1 : i32
    %mul3A_3 = arith.constant 640 : i32
    %mul3A_4 = arith.muli %arg1, %mul3A_3 : i32
    %add3A_5 = arith.addi %mul3A_2, %mul3A_4 : i32
    %mul3A_6 = arith.constant 640 : i32
    %mul3A_7 = arith.muli %arg1, %mul3A_6 : i32
    "tpu.region"() ({
      %run_scoped3A = tpu.sem_alloc : memref<!tpu.dma_semaphore, #tpu.memory_space<semaphore_mem>>
      %dma_start3A = arith.constant 0 : i32
      %dma_start3A_17 = tpu.memref_slice %arg12[%mul3A_7, %dma_start3A] : memref<10240x128xf32, #tpu.memory_space<vmem_shared>> -> memref<640x128xf32, #tpu.memory_space<vmem_shared>>
      %dma_start3A_18 = arith.constant 0 : i32
      %dma_start3A_19 = tpu.memref_slice %arg2[%add3A_5, %dma_start3A_18] : memref<20480x128xf32, #tpu.memory_space<hbm>> -> memref<640x128xf32, #tpu.memory_space<hbm>>
      tpu.enqueue_dma source(%dma_start3A_19 : memref<640x128xf32, #tpu.memory_space<hbm>>) target(%dma_start3A_17 : memref<640x128xf32, #tpu.memory_space<vmem_shared>>) target_semaphore(%run_scoped3A : memref<!tpu.dma_semaphore, #tpu.memory_space<semaphore_mem>>)
      %dma_wait3A = arith.constant 0 : i32
      %dma_wait3A_20 = tpu.memref_slice %arg12[%mul3A_7, %dma_wait3A] : memref<10240x128xf32, #tpu.memory_space<vmem_shared>> -> memref<640x128xf32, #tpu.memory_space<vmem_shared>>
      %dma_wait3A_21 = arith.constant 0 : i32
      %dma_wait3A_22 = tpu.memref_slice %arg2[%add3A_5, %dma_wait3A_21] : memref<20480x128xf32, #tpu.memory_space<hbm>> -> memref<640x128xf32, #tpu.memory_space<hbm>>
      tpu.wait_dma2 semaphore(%run_scoped3A : memref<!tpu.dma_semaphore, #tpu.memory_space<semaphore_mem>>) src(%dma_wait3A_22 : memref<640x128xf32, #tpu.memory_space<hbm>>) dst(%dma_wait3A_20 : memref<640x128xf32, #tpu.memory_space<vmem_shared>>)
      tpu.yield
    }) : () -> ()
    %barrier3A = arith.constant 0 : index
    tpu.barrier barrier_id(%barrier3A)
    %scan3A = arith.constant 0 : i32
    %scan3A_8 = arith.constant 4 : i32
    %scan3A_9 = arith.addi %scan3A, %scan3A_8 : i32
    %scan3A_10 = arith.constant 1 : i32
    scf.for %scan3A_17 = %scan3A to %scan3A_9 step %scan3A_10  : i32 {
      %mul3A_18 = arith.constant 1 : i32
      %mul3A_19 = arith.muli %scan3A_17, %mul3A_18 : i32
      %add3A_20 = arith.constant 0 : i32
      %add3A_21 = arith.addi %add3A_20, %mul3A_19 : i32
      %mul3A_22 = arith.constant 40 : i32
      %mul3A_23 = arith.muli %add3A_21, %mul3A_22 : i32
      "tpu.region"() ({
        %run_scoped3A = tpu.sem_alloc : memref<!tpu.dma_semaphore, #tpu.memory_space<semaphore_mem>>
        %dma_start3A_37 = arith.constant 0 : i32
        %dma_start3A_38 = tpu.memref_slice %arg3[%add3A, %mul3A_23, %dma_start3A_37] : memref<32x160x128xi32, #tpu.memory_space<hbm>> -> memref<1x40x128xi32, #tpu.memory_space<hbm>>
        %dma_start3A_39 = tpu.memref_squeeze %dma_start3A_38 : memref<1x40x128xi32, #tpu.memory_space<hbm>> -> memref<40x128xi32, #tpu.memory_space<hbm>>
        %dma_start3A_40 = arith.constant 0 : i32
        %dma_start3A_41 = tpu.memref_slice %arg3[%add3A, %mul3A_23, %dma_start3A_40] : memref<32x160x128xi32, #tpu.memory_space<hbm>> -> memref<1x40x128xi32, #tpu.memory_space<hbm>>
        %dma_start3A_42 = tpu.memref_squeeze %dma_start3A_41 : memref<1x40x128xi32, #tpu.memory_space<hbm>> -> memref<40x128xi32, #tpu.memory_space<hbm>>
        tpu.enqueue_dma source(%dma_start3A_42 : memref<40x128xi32, #tpu.memory_space<hbm>>) target(%arg6 : memref<40x128xi32, #tpu.memory_space<vmem>>) target_semaphore(%run_scoped3A : memref<!tpu.dma_semaphore, #tpu.memory_space<semaphore_mem>>)
        %dma_wait3A = arith.constant 0 : i32
        %dma_wait3A_43 = tpu.memref_slice %arg3[%add3A, %mul3A_23, %dma_wait3A] : memref<32x160x128xi32, #tpu.memory_space<hbm>> -> memref<1x40x128xi32, #tpu.memory_space<hbm>>
        %dma_wait3A_44 = tpu.memref_squeeze %dma_wait3A_43 : memref<1x40x128xi32, #tpu.memory_space<hbm>> -> memref<40x128xi32, #tpu.memory_space<hbm>>
        %dma_wait3A_45 = arith.constant 0 : i32
        %dma_wait3A_46 = tpu.memref_slice %arg3[%add3A, %mul3A_23, %dma_wait3A_45] : memref<32x160x128xi32, #tpu.memory_space<hbm>> -> memref<1x40x128xi32, #tpu.memory_space<hbm>>
        %dma_wait3A_47 = tpu.memref_squeeze %dma_wait3A_46 : memref<1x40x128xi32, #tpu.memory_space<hbm>> -> memref<40x128xi32, #tpu.memory_space<hbm>>
        tpu.wait_dma2 semaphore(%run_scoped3A : memref<!tpu.dma_semaphore, #tpu.memory_space<semaphore_mem>>) src(%dma_wait3A_47 : memref<40x128xi32, #tpu.memory_space<hbm>>) dst(%arg6 : memref<40x128xi32, #tpu.memory_space<vmem>>)
        tpu.yield
      }) : () -> ()
      %mul3A_24 = arith.constant 40 : i32
      %mul3A_25 = arith.muli %add3A_21, %mul3A_24 : i32
      "tpu.region"() ({
        %run_scoped3A = tpu.sem_alloc : memref<!tpu.dma_semaphore, #tpu.memory_space<semaphore_mem>>
        %dma_start3A_37 = arith.constant 0 : i32
        %dma_start3A_38 = tpu.memref_slice %arg4[%add3A, %mul3A_25, %dma_start3A_37] : memref<32x160x128xi32, #tpu.memory_space<hbm>> -> memref<1x40x128xi32, #tpu.memory_space<hbm>>
        %dma_start3A_39 = tpu.memref_squeeze %dma_start3A_38 : memref<1x40x128xi32, #tpu.memory_space<hbm>> -> memref<40x128xi32, #tpu.memory_space<hbm>>
        %dma_start3A_40 = arith.constant 0 : i32
        %dma_start3A_41 = tpu.memref_slice %arg4[%add3A, %mul3A_25, %dma_start3A_40] : memref<32x160x128xi32, #tpu.memory_space<hbm>> -> memref<1x40x128xi32, #tpu.memory_space<hbm>>
        %dma_start3A_42 = tpu.memref_squeeze %dma_start3A_41 : memref<1x40x128xi32, #tpu.memory_space<hbm>> -> memref<40x128xi32, #tpu.memory_space<hbm>>
        tpu.enqueue_dma source(%dma_start3A_42 : memref<40x128xi32, #tpu.memory_space<hbm>>) target(%arg7 : memref<40x128xi32, #tpu.memory_space<vmem>>) target_semaphore(%run_scoped3A : memref<!tpu.dma_semaphore, #tpu.memory_space<semaphore_mem>>)
        %dma_wait3A = arith.constant 0 : i32
        %dma_wait3A_43 = tpu.memref_slice %arg4[%add3A, %mul3A_25, %dma_wait3A] : memref<32x160x128xi32, #tpu.memory_space<hbm>> -> memref<1x40x128xi32, #tpu.memory_space<hbm>>
        %dma_wait3A_44 = tpu.memref_squeeze %dma_wait3A_43 : memref<1x40x128xi32, #tpu.memory_space<hbm>> -> memref<40x128xi32, #tpu.memory_space<hbm>>
        %dma_wait3A_45 = arith.constant 0 : i32
        %dma_wait3A_46 = tpu.memref_slice %arg4[%add3A, %mul3A_25, %dma_wait3A_45] : memref<32x160x128xi32, #tpu.memory_space<hbm>> -> memref<1x40x128xi32, #tpu.memory_space<hbm>>
        %dma_wait3A_47 = tpu.memref_squeeze %dma_wait3A_46 : memref<1x40x128xi32, #tpu.memory_space<hbm>> -> memref<40x128xi32, #tpu.memory_space<hbm>>
        tpu.wait_dma2 semaphore(%run_scoped3A : memref<!tpu.dma_semaphore, #tpu.memory_space<semaphore_mem>>) src(%dma_wait3A_47 : memref<40x128xi32, #tpu.memory_space<hbm>>) dst(%arg7 : memref<40x128xi32, #tpu.memory_space<vmem>>)
        tpu.yield
      }) : () -> ()
      %dma_start3A = arith.constant 0 : i32
      %dma_start3A_26 = arith.constant 0 : i32
      %dma_start3A_27 = tpu.memref_slice %arg6[%dma_start3A, %dma_start3A_26] : memref<40x128xi32, #tpu.memory_space<vmem>> -> memref<1x128xi32, #tpu.memory_space<vmem>>
      %dma_start3A_28 = tpu.memref_squeeze %dma_start3A_27 : memref<1x128xi32, #tpu.memory_space<vmem>> -> memref<128xi32, #tpu.memory_space<vmem>>
      %dma_start3A_29 = arith.constant 0 : i32
      %dma_start3A_30 = arith.constant 0 : i32
      %dma_start3A_31 = tpu.memref_slice %arg2[%dma_start3A_29, %dma_start3A_30] : memref<20480x128xf32, #tpu.memory_space<hbm>> -> memref<20480x128xf32, #tpu.memory_space<hbm>>
      tpu.enqueue_indirect_dma source(%dma_start3A_31 : memref<20480x128xf32, #tpu.memory_space<hbm>>) target(%arg8 : memref<128x128xf32, #tpu.memory_space<vmem>>) offsets(%dma_start3A_28 : memref<128xi32, #tpu.memory_space<vmem>>) semaphore(%arg10 : memref<!tpu.dma_semaphore, #tpu.memory_space<semaphore_mem>>)
      %scan3A_32 = arith.constant 0 : i32
      %scan3A_33 = arith.constant 20 : i32
      %scan3A_34 = arith.addi %scan3A_32, %scan3A_33 : i32
      %scan3A_35 = arith.constant 1 : i32
      scf.for %scan3A_37 = %scan3A_32 to %scan3A_34 step %scan3A_35  : i32 {
        %mul3A_38 = arith.constant 2 : i32
        %mul3A_39 = arith.muli %scan3A_37, %mul3A_38 : i32
        %add3A_40 = arith.constant 0 : i32
        %add3A_41 = arith.addi %add3A_40, %mul3A_39 : i32
        %dma_wait3A = arith.constant 0 : i32
        %dma_wait3A_42 = tpu.memref_slice %arg6[%add3A_41, %dma_wait3A] : memref<40x128xi32, #tpu.memory_space<vmem>> -> memref<1x128xi32, #tpu.memory_space<vmem>>
        %dma_wait3A_43 = tpu.memref_squeeze %dma_wait3A_42 : memref<1x128xi32, #tpu.memory_space<vmem>> -> memref<128xi32, #tpu.memory_space<vmem>>
        %dma_wait3A_44 = arith.constant 0 : i32
        %dma_wait3A_45 = arith.constant 0 : i32
        %dma_wait3A_46 = tpu.memref_slice %arg2[%dma_wait3A_44, %dma_wait3A_45] : memref<20480x128xf32, #tpu.memory_space<hbm>> -> memref<20480x128xf32, #tpu.memory_space<hbm>>
        tpu.wait_indirect_dma semaphore(%arg10 : memref<!tpu.dma_semaphore, #tpu.memory_space<semaphore_mem>>) src(%dma_wait3A_46 : memref<20480x128xf32, #tpu.memory_space<hbm>>) dst(%arg8 : memref<128x128xf32, #tpu.memory_space<vmem>>)
        %add3A_47 = arith.constant 1 : i32
        %add3A_48 = arith.addi %add3A_41, %add3A_47 : i32
        %dma_start3A_49 = arith.constant 0 : i32
        %dma_start3A_50 = tpu.memref_slice %arg6[%add3A_48, %dma_start3A_49] : memref<40x128xi32, #tpu.memory_space<vmem>> -> memref<1x128xi32, #tpu.memory_space<vmem>>
        %dma_start3A_51 = tpu.memref_squeeze %dma_start3A_50 : memref<1x128xi32, #tpu.memory_space<vmem>> -> memref<128xi32, #tpu.memory_space<vmem>>
        %dma_start3A_52 = arith.constant 0 : i32
        %dma_start3A_53 = arith.constant 0 : i32
        %dma_start3A_54 = tpu.memref_slice %arg2[%dma_start3A_52, %dma_start3A_53] : memref<20480x128xf32, #tpu.memory_space<hbm>> -> memref<20480x128xf32, #tpu.memory_space<hbm>>
        tpu.enqueue_indirect_dma source(%dma_start3A_54 : memref<20480x128xf32, #tpu.memory_space<hbm>>) target(%arg9 : memref<128x128xf32, #tpu.memory_space<vmem>>) offsets(%dma_start3A_51 : memref<128xi32, #tpu.memory_space<vmem>>) semaphore(%arg11 : memref<!tpu.dma_semaphore, #tpu.memory_space<semaphore_mem>>)
        "tpu.region"() ({
          %run_scoped3A = tpu.sem_alloc : memref<!tpu.dma_semaphore, #tpu.memory_space<semaphore_mem>>
          %dma_start3A_69 = arith.constant 0 : i32
          %dma_start3A_70 = tpu.memref_slice %arg7[%add3A_41, %dma_start3A_69] : memref<40x128xi32, #tpu.memory_space<vmem>> -> memref<1x128xi32, #tpu.memory_space<vmem>>
          %dma_start3A_71 = tpu.memref_squeeze %dma_start3A_70 : memref<1x128xi32, #tpu.memory_space<vmem>> -> memref<128xi32, #tpu.memory_space<vmem>>
          %dma_start3A_72 = arith.constant 0 : i32
          %dma_start3A_73 = arith.constant 0 : i32
          %dma_start3A_74 = tpu.memref_slice %arg12[%dma_start3A_72, %dma_start3A_73] : memref<10240x128xf32, #tpu.memory_space<vmem_shared>> -> memref<10240x128xf32, #tpu.memory_space<vmem_shared>>
          tpu.enqueue_indirect_dma source(%arg8 : memref<128x128xf32, #tpu.memory_space<vmem>>) target(%dma_start3A_74 : memref<10240x128xf32, #tpu.memory_space<vmem_shared>>) offsets(%dma_start3A_71 : memref<128xi32, #tpu.memory_space<vmem>>) semaphore(%run_scoped3A : memref<!tpu.dma_semaphore, #tpu.memory_space<semaphore_mem>>) {add = true}
          %dma_wait3A_75 = arith.constant 0 : i32
          %dma_wait3A_76 = tpu.memref_slice %arg7[%add3A_41, %dma_wait3A_75] : memref<40x128xi32, #tpu.memory_space<vmem>> -> memref<1x128xi32, #tpu.memory_space<vmem>>
          %dma_wait3A_77 = tpu.memref_squeeze %dma_wait3A_76 : memref<1x128xi32, #tpu.memory_space<vmem>> -> memref<128xi32, #tpu.memory_space<vmem>>
          %dma_wait3A_78 = arith.constant 0 : i32
          %dma_wait3A_79 = arith.constant 0 : i32
          %dma_wait3A_80 = tpu.memref_slice %arg12[%dma_wait3A_78, %dma_wait3A_79] : memref<10240x128xf32, #tpu.memory_space<vmem_shared>> -> memref<10240x128xf32, #tpu.memory_space<vmem_shared>>
          tpu.wait_indirect_dma semaphore(%run_scoped3A : memref<!tpu.dma_semaphore, #tpu.memory_space<semaphore_mem>>) src(%arg8 : memref<128x128xf32, #tpu.memory_space<vmem>>) dst(%dma_wait3A_80 : memref<10240x128xf32, #tpu.memory_space<vmem_shared>>)
          tpu.yield
        }) : () -> ()
        %add3A_55 = arith.constant 1 : i32
        %add3A_56 = arith.addi %add3A_41, %add3A_55 : i32
        %dma_wait3A_57 = arith.constant 0 : i32
        %dma_wait3A_58 = tpu.memref_slice %arg6[%add3A_56, %dma_wait3A_57] : memref<40x128xi32, #tpu.memory_space<vmem>> -> memref<1x128xi32, #tpu.memory_space<vmem>>
        %dma_wait3A_59 = tpu.memref_squeeze %dma_wait3A_58 : memref<1x128xi32, #tpu.memory_space<vmem>> -> memref<128xi32, #tpu.memory_space<vmem>>
        %dma_wait3A_60 = arith.constant 0 : i32
        %dma_wait3A_61 = arith.constant 0 : i32
        %dma_wait3A_62 = tpu.memref_slice %arg2[%dma_wait3A_60, %dma_wait3A_61] : memref<20480x128xf32, #tpu.memory_space<hbm>> -> memref<20480x128xf32, #tpu.memory_space<hbm>>
        tpu.wait_indirect_dma semaphore(%arg11 : memref<!tpu.dma_semaphore, #tpu.memory_space<semaphore_mem>>) src(%dma_wait3A_62 : memref<20480x128xf32, #tpu.memory_space<hbm>>) dst(%arg9 : memref<128x128xf32, #tpu.memory_space<vmem>>)
        %add3A_63 = arith.constant 2 : i32
        %add3A_64 = arith.addi %add3A_41, %add3A_63 : i32
        %lt3A = arith.constant 40 : i32
        %lt3A_65 = arith.cmpi slt, %add3A_64, %lt3A : i32
        %convert_element_type3A = arith.extui %lt3A_65 : i1 to i32
        %cond3A = arith.constant 0 : i32
        %cond3A_66 = arith.cmpi ne, %convert_element_type3A, %cond3A : i32
        scf.if %cond3A_66 {
          %add3A_69 = arith.constant 2 : i32
          %add3A_70 = arith.addi %add3A_41, %add3A_69 : i32
          %dma_start3A_71 = arith.constant 0 : i32
          %dma_start3A_72 = tpu.memref_slice %arg6[%add3A_70, %dma_start3A_71] : memref<40x128xi32, #tpu.memory_space<vmem>> -> memref<1x128xi32, #tpu.memory_space<vmem>>
          %dma_start3A_73 = tpu.memref_squeeze %dma_start3A_72 : memref<1x128xi32, #tpu.memory_space<vmem>> -> memref<128xi32, #tpu.memory_space<vmem>>
          %dma_start3A_74 = arith.constant 0 : i32
          %dma_start3A_75 = arith.constant 0 : i32
          %dma_start3A_76 = tpu.memref_slice %arg2[%dma_start3A_74, %dma_start3A_75] : memref<20480x128xf32, #tpu.memory_space<hbm>> -> memref<20480x128xf32, #tpu.memory_space<hbm>>
          tpu.enqueue_indirect_dma source(%dma_start3A_76 : memref<20480x128xf32, #tpu.memory_space<hbm>>) target(%arg8 : memref<128x128xf32, #tpu.memory_space<vmem>>) offsets(%dma_start3A_73 : memref<128xi32, #tpu.memory_space<vmem>>) semaphore(%arg10 : memref<!tpu.dma_semaphore, #tpu.memory_space<semaphore_mem>>)
        } else {
        }
        %add3A_67 = arith.constant 1 : i32
        %add3A_68 = arith.addi %add3A_41, %add3A_67 : i32
        "tpu.region"() ({
          %run_scoped3A = tpu.sem_alloc : memref<!tpu.dma_semaphore, #tpu.memory_space<semaphore_mem>>
          %dma_start3A_69 = arith.constant 0 : i32
          %dma_start3A_70 = tpu.memref_slice %arg7[%add3A_68, %dma_start3A_69] : memref<40x128xi32, #tpu.memory_space<vmem>> -> memref<1x128xi32, #tpu.memory_space<vmem>>
          %dma_start3A_71 = tpu.memref_squeeze %dma_start3A_70 : memref<1x128xi32, #tpu.memory_space<vmem>> -> memref<128xi32, #tpu.memory_space<vmem>>
          %dma_start3A_72 = arith.constant 0 : i32
          %dma_start3A_73 = arith.constant 0 : i32
          %dma_start3A_74 = tpu.memref_slice %arg12[%dma_start3A_72, %dma_start3A_73] : memref<10240x128xf32, #tpu.memory_space<vmem_shared>> -> memref<10240x128xf32, #tpu.memory_space<vmem_shared>>
          tpu.enqueue_indirect_dma source(%arg9 : memref<128x128xf32, #tpu.memory_space<vmem>>) target(%dma_start3A_74 : memref<10240x128xf32, #tpu.memory_space<vmem_shared>>) offsets(%dma_start3A_71 : memref<128xi32, #tpu.memory_space<vmem>>) semaphore(%run_scoped3A : memref<!tpu.dma_semaphore, #tpu.memory_space<semaphore_mem>>) {add = true}
          %dma_wait3A_75 = arith.constant 0 : i32
          %dma_wait3A_76 = tpu.memref_slice %arg7[%add3A_68, %dma_wait3A_75] : memref<40x128xi32, #tpu.memory_space<vmem>> -> memref<1x128xi32, #tpu.memory_space<vmem>>
          %dma_wait3A_77 = tpu.memref_squeeze %dma_wait3A_76 : memref<1x128xi32, #tpu.memory_space<vmem>> -> memref<128xi32, #tpu.memory_space<vmem>>
          %dma_wait3A_78 = arith.constant 0 : i32
          %dma_wait3A_79 = arith.constant 0 : i32
          %dma_wait3A_80 = tpu.memref_slice %arg12[%dma_wait3A_78, %dma_wait3A_79] : memref<10240x128xf32, #tpu.memory_space<vmem_shared>> -> memref<10240x128xf32, #tpu.memory_space<vmem_shared>>
          tpu.wait_indirect_dma semaphore(%run_scoped3A : memref<!tpu.dma_semaphore, #tpu.memory_space<semaphore_mem>>) src(%arg9 : memref<128x128xf32, #tpu.memory_space<vmem>>) dst(%dma_wait3A_80 : memref<10240x128xf32, #tpu.memory_space<vmem_shared>>)
          tpu.yield
        }) : () -> ()
      }
      %scan3A_36 = arith.constant 20 : i32
    }
    %scan3A_11 = arith.constant 4 : i32
    %barrier3A_12 = arith.constant 0 : index
    tpu.barrier barrier_id(%barrier3A_12)
    %mul3A_13 = arith.constant 640 : i32
    %mul3A_14 = arith.muli %arg1, %mul3A_13 : i32
    %mul3A_15 = arith.constant 640 : i32
    %mul3A_16 = arith.muli %arg1, %mul3A_15 : i32
    "tpu.region"() ({
      %run_scoped3A = tpu.sem_alloc : memref<!tpu.dma_semaphore, #tpu.memory_space<semaphore_mem>>
      %dma_start3A = arith.constant 0 : i32
      %dma_start3A_17 = tpu.memref_slice %arg5[%arg0, %mul3A_16, %dma_start3A] : memref<2x10240x128xf32, #tpu.memory_space<hbm>> -> memref<1x640x128xf32, #tpu.memory_space<hbm>>
      %dma_start3A_18 = tpu.memref_squeeze %dma_start3A_17 : memref<1x640x128xf32, #tpu.memory_space<hbm>> -> memref<640x128xf32, #tpu.memory_space<hbm>>
      %dma_start3A_19 = arith.constant 0 : i32
      %dma_start3A_20 = tpu.memref_slice %arg12[%mul3A_14, %dma_start3A_19] : memref<10240x128xf32, #tpu.memory_space<vmem_shared>> -> memref<640x128xf32, #tpu.memory_space<vmem_shared>>
      tpu.enqueue_dma source(%dma_start3A_20 : memref<640x128xf32, #tpu.memory_space<vmem_shared>>) target(%dma_start3A_18 : memref<640x128xf32, #tpu.memory_space<hbm>>) target_semaphore(%run_scoped3A : memref<!tpu.dma_semaphore, #tpu.memory_space<semaphore_mem>>)
      %dma_wait3A = arith.constant 0 : i32
      %dma_wait3A_21 = tpu.memref_slice %arg5[%arg0, %mul3A_16, %dma_wait3A] : memref<2x10240x128xf32, #tpu.memory_space<hbm>> -> memref<1x640x128xf32, #tpu.memory_space<hbm>>
      %dma_wait3A_22 = tpu.memref_squeeze %dma_wait3A_21 : memref<1x640x128xf32, #tpu.memory_space<hbm>> -> memref<640x128xf32, #tpu.memory_space<hbm>>
      %dma_wait3A_23 = arith.constant 0 : i32
      %dma_wait3A_24 = tpu.memref_slice %arg12[%mul3A_14, %dma_wait3A_23] : memref<10240x128xf32, #tpu.memory_space<vmem_shared>> -> memref<640x128xf32, #tpu.memory_space<vmem_shared>>
      tpu.wait_dma2 semaphore(%run_scoped3A : memref<!tpu.dma_semaphore, #tpu.memory_space<semaphore_mem>>) src(%dma_wait3A_24 : memref<640x128xf32, #tpu.memory_space<vmem_shared>>) dst(%dma_wait3A_22 : memref<640x128xf32, #tpu.memory_space<hbm>>)
      tpu.yield
    }) : () -> ()
    return
  }
}

#map = affine_map<(d0, d1) -> (0, 0, 0)>
module attributes {stable_mosaic.version = 14 : i64} {
  func.func @_deg_kernel(%arg0: i32, %arg1: i32, %arg2: memref<32x160x128xi32, #tpu.memory_space<hbm>>, %arg3: memref<2x16x10240xf32, #tpu.memory_space<hbm>>, %arg4: memref<40x128xi32, #tpu.memory_space<vmem>>, %arg5: memref<10240xf32, #tpu.memory_space<vmem>>) attributes {dimension_semantics = [#tpu.dimension_semantics<core_parallel>, #tpu.dimension_semantics<subcore_parallel>], iteration_bounds = array<i64: 2, 16>, scalar_prefetch = 0 : i64, scratch_operands = 2 : i64, tpu.core_type = #tpu.core_type<sc_vector_subcore>, window_params = [{transform_indices = #map}, {transform_indices = #map}]} {
    %mul3A = arith.constant 16 : i32
    %mul3A_0 = arith.muli %arg0, %mul3A : i32
    %add3A = arith.addi %mul3A_0, %arg1 : i32
    %scan3A = arith.constant 0 : i32
    %scan3A_1 = arith.constant 640 : i32
    %scan3A_2 = arith.addi %scan3A, %scan3A_1 : i32
    %scan3A_3 = arith.constant 1 : i32
    scf.for %scan3A_11 = %scan3A to %scan3A_2 step %scan3A_3  : i32 {
      %mul3A_12 = arith.constant 1 : i32
      %mul3A_13 = arith.muli %scan3A_11, %mul3A_12 : i32
      %add3A_14 = arith.constant 0 : i32
      %add3A_15 = arith.addi %add3A_14, %mul3A_13 : i32
      %broadcast_in_dim3A_16 = arith.constant 0.000000e+00 : f32
      %broadcast_in_dim3A_17 = vector.broadcast %broadcast_in_dim3A_16 : f32 to vector<16xf32>
      %mul3A_18 = arith.constant 16 : i32
      %mul3A_19 = arith.muli %add3A_15, %mul3A_18 : i32
      %swap3A = arith.index_cast %mul3A_19 : i32 to index
      %swap3A_20 = tpu.vector_load %arg5[%swap3A] {strides = array<i32>} : memref<10240xf32, #tpu.memory_space<vmem>>, vector<16xf32>,
      tpu.vector_store %arg5[%swap3A], %broadcast_in_dim3A_17 {strides = array<i32>} : memref<10240xf32, #tpu.memory_space<vmem>>, vector<16xf32>,
    }
    %scan3A_4 = arith.constant 640 : i32
    %broadcast_in_dim3A = arith.constant 1.000000e+00 : f32
    %broadcast_in_dim3A_5 = vector.broadcast %broadcast_in_dim3A : f32 to vector<16xf32>
    %scan3A_6 = arith.constant 0 : i32
    %scan3A_7 = arith.constant 4 : i32
    %scan3A_8 = arith.addi %scan3A_6, %scan3A_7 : i32
    %scan3A_9 = arith.constant 1 : i32
    scf.for %scan3A_11 = %scan3A_6 to %scan3A_8 step %scan3A_9  : i32 {
      %mul3A_12 = arith.constant 1 : i32
      %mul3A_13 = arith.muli %scan3A_11, %mul3A_12 : i32
      %add3A_14 = arith.constant 0 : i32
      %add3A_15 = arith.addi %add3A_14, %mul3A_13 : i32
      %mul3A_16 = arith.constant 40 : i32
      %mul3A_17 = arith.muli %add3A_15, %mul3A_16 : i32
      "tpu.region"() ({
        %run_scoped3A = tpu.sem_alloc : memref<!tpu.dma_semaphore, #tpu.memory_space<semaphore_mem>>
        %dma_start3A = arith.constant 0 : i32
        %dma_start3A_23 = tpu.memref_slice %arg2[%add3A, %mul3A_17, %dma_start3A] : memref<32x160x128xi32, #tpu.memory_space<hbm>> -> memref<1x40x128xi32, #tpu.memory_space<hbm>>
        %dma_start3A_24 = tpu.memref_squeeze %dma_start3A_23 : memref<1x40x128xi32, #tpu.memory_space<hbm>> -> memref<40x128xi32, #tpu.memory_space<hbm>>
        %dma_start3A_25 = arith.constant 0 : i32
        %dma_start3A_26 = tpu.memref_slice %arg2[%add3A, %mul3A_17, %dma_start3A_25] : memref<32x160x128xi32, #tpu.memory_space<hbm>> -> memref<1x40x128xi32, #tpu.memory_space<hbm>>
        %dma_start3A_27 = tpu.memref_squeeze %dma_start3A_26 : memref<1x40x128xi32, #tpu.memory_space<hbm>> -> memref<40x128xi32, #tpu.memory_space<hbm>>
        tpu.enqueue_dma source(%dma_start3A_27 : memref<40x128xi32, #tpu.memory_space<hbm>>) target(%arg4 : memref<40x128xi32, #tpu.memory_space<vmem>>) target_semaphore(%run_scoped3A : memref<!tpu.dma_semaphore, #tpu.memory_space<semaphore_mem>>)
        %dma_wait3A = arith.constant 0 : i32
        %dma_wait3A_28 = tpu.memref_slice %arg2[%add3A, %mul3A_17, %dma_wait3A] : memref<32x160x128xi32, #tpu.memory_space<hbm>> -> memref<1x40x128xi32, #tpu.memory_space<hbm>>
        %dma_wait3A_29 = tpu.memref_squeeze %dma_wait3A_28 : memref<1x40x128xi32, #tpu.memory_space<hbm>> -> memref<40x128xi32, #tpu.memory_space<hbm>>
        %dma_wait3A_30 = arith.constant 0 : i32
        %dma_wait3A_31 = tpu.memref_slice %arg2[%add3A, %mul3A_17, %dma_wait3A_30] : memref<32x160x128xi32, #tpu.memory_space<hbm>> -> memref<1x40x128xi32, #tpu.memory_space<hbm>>
        %dma_wait3A_32 = tpu.memref_squeeze %dma_wait3A_31 : memref<1x40x128xi32, #tpu.memory_space<hbm>> -> memref<40x128xi32, #tpu.memory_space<hbm>>
        tpu.wait_dma2 semaphore(%run_scoped3A : memref<!tpu.dma_semaphore, #tpu.memory_space<semaphore_mem>>) src(%dma_wait3A_32 : memref<40x128xi32, #tpu.memory_space<hbm>>) dst(%arg4 : memref<40x128xi32, #tpu.memory_space<vmem>>)
        tpu.yield
      }) : () -> ()
      %scan3A_18 = arith.constant 0 : i32
      %scan3A_19 = arith.constant 40 : i32
      %scan3A_20 = arith.addi %scan3A_18, %scan3A_19 : i32
      %scan3A_21 = arith.constant 1 : i32
      scf.for %scan3A_23 = %scan3A_18 to %scan3A_20 step %scan3A_21  : i32 {
        %mul3A_24 = arith.constant 1 : i32
        %mul3A_25 = arith.muli %scan3A_23, %mul3A_24 : i32
        %add3A_26 = arith.constant 0 : i32
        %add3A_27 = arith.addi %add3A_26, %mul3A_25 : i32
        %scan3A_28 = arith.constant 0 : i32
        %scan3A_29 = arith.constant 8 : i32
        %scan3A_30 = arith.addi %scan3A_28, %scan3A_29 : i32
        %scan3A_31 = arith.constant 1 : i32
        scf.for %scan3A_33 = %scan3A_28 to %scan3A_30 step %scan3A_31  : i32 {
          %mul3A_34 = arith.constant 1 : i32
          %mul3A_35 = arith.muli %scan3A_33, %mul3A_34 : i32
          %add3A_36 = arith.constant 0 : i32
          %add3A_37 = arith.addi %add3A_36, %mul3A_35 : i32
          %mul3A_38 = arith.constant 16 : i32
          %mul3A_39 = arith.muli %add3A_37, %mul3A_38 : i32
          %get3A = arith.index_cast %add3A_27 : i32 to index
          %get3A_40 = arith.index_cast %mul3A_39 : i32 to index
          %get3A_41 = tpu.vector_load %arg4[%get3A, %get3A_40] {strides = array<i32>} : memref<40x128xi32, #tpu.memory_space<vmem>>, vector<16xi32>,
          tpu.vector_store_idx %arg5[%get3A_41], %broadcast_in_dim3A_5 {add = true} : memref<10240xf32, #tpu.memory_space<vmem>>[vector<16xi32>], vector<16xf32>,
        }
        %scan3A_32 = arith.constant 8 : i32
      }
      %scan3A_22 = arith.constant 40 : i32
    }
    %scan3A_10 = arith.constant 4 : i32
    "tpu.region"() ({
      %run_scoped3A = tpu.sem_alloc : memref<!tpu.dma_semaphore, #tpu.memory_space<semaphore_mem>>
      %dma_start3A = arith.constant 0 : i32
      %dma_start3A_11 = tpu.memref_slice %arg3[%arg0, %arg1, %dma_start3A] : memref<2x16x10240xf32, #tpu.memory_space<hbm>> -> memref<1x1x10240xf32, #tpu.memory_space<hbm>>
      %dma_start3A_12 = tpu.memref_squeeze %dma_start3A_11 : memref<1x1x10240xf32, #tpu.memory_space<hbm>> -> memref<10240xf32, #tpu.memory_space<hbm>>
      %dma_start3A_13 = arith.constant 0 : i32
      %dma_start3A_14 = tpu.memref_slice %arg3[%arg0, %arg1, %dma_start3A_13] : memref<2x16x10240xf32, #tpu.memory_space<hbm>> -> memref<1x1x10240xf32, #tpu.memory_space<hbm>>
      %dma_start3A_15 = tpu.memref_squeeze %dma_start3A_14 : memref<1x1x10240xf32, #tpu.memory_space<hbm>> -> memref<10240xf32, #tpu.memory_space<hbm>>
      tpu.enqueue_dma source(%arg5 : memref<10240xf32, #tpu.memory_space<vmem>>) target(%dma_start3A_15 : memref<10240xf32, #tpu.memory_space<hbm>>) target_semaphore(%run_scoped3A : memref<!tpu.dma_semaphore, #tpu.memory_space<semaphore_mem>>)
      %dma_wait3A = arith.constant 0 : i32
      %dma_wait3A_16 = tpu.memref_slice %arg3[%arg0, %arg1, %dma_wait3A] : memref<2x16x10240xf32, #tpu.memory_space<hbm>> -> memref<1x1x10240xf32, #tpu.memory_space<hbm>>
      %dma_wait3A_17 = tpu.memref_squeeze %dma_wait3A_16 : memref<1x1x10240xf32, #tpu.memory_space<hbm>> -> memref<10240xf32, #tpu.memory_space<hbm>>
      %dma_wait3A_18 = arith.constant 0 : i32
      %dma_wait3A_19 = tpu.memref_slice %arg3[%arg0, %arg1, %dma_wait3A_18] : memref<2x16x10240xf32, #tpu.memory_space<hbm>> -> memref<1x1x10240xf32, #tpu.memory_space<hbm>>
      %dma_wait3A_20 = tpu.memref_squeeze %dma_wait3A_19 : memref<1x1x10240xf32, #tpu.memory_space<hbm>> -> memref<10240xf32, #tpu.memory_space<hbm>>
      tpu.wait_dma2 semaphore(%run_scoped3A : memref<!tpu.dma_semaphore, #tpu.memory_space<semaphore_mem>>) src(%arg5 : memref<10240xf32, #tpu.memory_space<vmem>>) dst(%dma_wait3A_20 : memref<10240xf32, #tpu.memory_space<hbm>>)
      tpu.yield
    }) : () -> ()
    return
  }
}

#map = affine_map<(d0, d1) -> (0, 0)>
#map1 = affine_map<(d0, d1) -> (0, 0, 0)>
module attributes {stable_mosaic.version = 14 : i64} {
  func.func @_agg_kernel(%arg0: i32, %arg1: i32, %arg2: memref<20480x128xf32, #tpu.memory_space<hbm>>, %arg3: memref<32x160x128xi32, #tpu.memory_space<hbm>>, %arg4: memref<32x160x128xi32, #tpu.memory_space<hbm>>, %arg5: memref<2x10240x128xf32, #tpu.memory_space<hbm>>, %arg6: memref<40x128xi32, #tpu.memory_space<vmem>>, %arg7: memref<40x128xi32, #tpu.memory_space<vmem>>, %arg8: memref<128x128xf32, #tpu.memory_space<vmem>>, %arg9: memref<128x128xf32, #tpu.memory_space<vmem>>, %arg10: memref<!tpu.dma_semaphore, #tpu.memory_space<semaphore_mem>>, %arg11: memref<!tpu.dma_semaphore, #tpu.memory_space<semaphore_mem>>, %arg12: memref<10240x128xf32, #tpu.memory_space<vmem_shared>>) attributes {dimension_semantics = [#tpu.dimension_semantics<core_parallel>, #tpu.dimension_semantics<subcore_parallel>], iteration_bounds = array<i64: 2, 16>, scalar_prefetch = 0 : i64, scratch_operands = 7 : i64, tpu.core_type = #tpu.core_type<sc_vector_subcore>, window_params = [{transform_indices = #map}, {transform_indices = #map1}, {transform_indices = #map1}, {transform_indices = #map1}]} {
    %mul3A = arith.constant 16 : i32
    %mul3A_0 = arith.muli %arg0, %mul3A : i32
    %add3A = arith.addi %mul3A_0, %arg1 : i32
    %mul3A_1 = arith.constant 10240 : i32
    %mul3A_2 = arith.muli %arg0, %mul3A_1 : i32
    %mul3A_3 = arith.constant 640 : i32
    %mul3A_4 = arith.muli %arg1, %mul3A_3 : i32
    %add3A_5 = arith.addi %mul3A_2, %mul3A_4 : i32
    %mul3A_6 = arith.constant 640 : i32
    %mul3A_7 = arith.muli %arg1, %mul3A_6 : i32
    "tpu.region"() ({
      %run_scoped3A = tpu.sem_alloc : memref<!tpu.dma_semaphore, #tpu.memory_space<semaphore_mem>>
      %dma_start3A = arith.constant 0 : i32
      %dma_start3A_17 = tpu.memref_slice %arg12[%mul3A_7, %dma_start3A] : memref<10240x128xf32, #tpu.memory_space<vmem_shared>> -> memref<640x128xf32, #tpu.memory_space<vmem_shared>>
      %dma_start3A_18 = arith.constant 0 : i32
      %dma_start3A_19 = tpu.memref_slice %arg2[%add3A_5, %dma_start3A_18] : memref<20480x128xf32, #tpu.memory_space<hbm>> -> memref<640x128xf32, #tpu.memory_space<hbm>>
      tpu.enqueue_dma source(%dma_start3A_19 : memref<640x128xf32, #tpu.memory_space<hbm>>) target(%dma_start3A_17 : memref<640x128xf32, #tpu.memory_space<vmem_shared>>) target_semaphore(%run_scoped3A : memref<!tpu.dma_semaphore, #tpu.memory_space<semaphore_mem>>)
      %dma_wait3A = arith.constant 0 : i32
      %dma_wait3A_20 = tpu.memref_slice %arg12[%mul3A_7, %dma_wait3A] : memref<10240x128xf32, #tpu.memory_space<vmem_shared>> -> memref<640x128xf32, #tpu.memory_space<vmem_shared>>
      %dma_wait3A_21 = arith.constant 0 : i32
      %dma_wait3A_22 = tpu.memref_slice %arg2[%add3A_5, %dma_wait3A_21] : memref<20480x128xf32, #tpu.memory_space<hbm>> -> memref<640x128xf32, #tpu.memory_space<hbm>>
      tpu.wait_dma2 semaphore(%run_scoped3A : memref<!tpu.dma_semaphore, #tpu.memory_space<semaphore_mem>>) src(%dma_wait3A_22 : memref<640x128xf32, #tpu.memory_space<hbm>>) dst(%dma_wait3A_20 : memref<640x128xf32, #tpu.memory_space<vmem_shared>>)
      tpu.yield
    }) : () -> ()
    %barrier3A = arith.constant 0 : index
    tpu.barrier barrier_id(%barrier3A)
    %scan3A = arith.constant 0 : i32
    %scan3A_8 = arith.constant 4 : i32
    %scan3A_9 = arith.addi %scan3A, %scan3A_8 : i32
    %scan3A_10 = arith.constant 1 : i32
    scf.for %scan3A_17 = %scan3A to %scan3A_9 step %scan3A_10  : i32 {
      %mul3A_18 = arith.constant 1 : i32
      %mul3A_19 = arith.muli %scan3A_17, %mul3A_18 : i32
      %add3A_20 = arith.constant 0 : i32
      %add3A_21 = arith.addi %add3A_20, %mul3A_19 : i32
      %mul3A_22 = arith.constant 40 : i32
      %mul3A_23 = arith.muli %add3A_21, %mul3A_22 : i32
      "tpu.region"() ({
        %run_scoped3A = tpu.sem_alloc : memref<!tpu.dma_semaphore, #tpu.memory_space<semaphore_mem>>
        %dma_start3A_37 = arith.constant 0 : i32
        %dma_start3A_38 = tpu.memref_slice %arg3[%add3A, %mul3A_23, %dma_start3A_37] : memref<32x160x128xi32, #tpu.memory_space<hbm>> -> memref<1x40x128xi32, #tpu.memory_space<hbm>>
        %dma_start3A_39 = tpu.memref_squeeze %dma_start3A_38 : memref<1x40x128xi32, #tpu.memory_space<hbm>> -> memref<40x128xi32, #tpu.memory_space<hbm>>
        %dma_start3A_40 = arith.constant 0 : i32
        %dma_start3A_41 = tpu.memref_slice %arg3[%add3A, %mul3A_23, %dma_start3A_40] : memref<32x160x128xi32, #tpu.memory_space<hbm>> -> memref<1x40x128xi32, #tpu.memory_space<hbm>>
        %dma_start3A_42 = tpu.memref_squeeze %dma_start3A_41 : memref<1x40x128xi32, #tpu.memory_space<hbm>> -> memref<40x128xi32, #tpu.memory_space<hbm>>
        tpu.enqueue_dma source(%dma_start3A_42 : memref<40x128xi32, #tpu.memory_space<hbm>>) target(%arg6 : memref<40x128xi32, #tpu.memory_space<vmem>>) target_semaphore(%run_scoped3A : memref<!tpu.dma_semaphore, #tpu.memory_space<semaphore_mem>>)
        %dma_wait3A = arith.constant 0 : i32
        %dma_wait3A_43 = tpu.memref_slice %arg3[%add3A, %mul3A_23, %dma_wait3A] : memref<32x160x128xi32, #tpu.memory_space<hbm>> -> memref<1x40x128xi32, #tpu.memory_space<hbm>>
        %dma_wait3A_44 = tpu.memref_squeeze %dma_wait3A_43 : memref<1x40x128xi32, #tpu.memory_space<hbm>> -> memref<40x128xi32, #tpu.memory_space<hbm>>
        %dma_wait3A_45 = arith.constant 0 : i32
        %dma_wait3A_46 = tpu.memref_slice %arg3[%add3A, %mul3A_23, %dma_wait3A_45] : memref<32x160x128xi32, #tpu.memory_space<hbm>> -> memref<1x40x128xi32, #tpu.memory_space<hbm>>
        %dma_wait3A_47 = tpu.memref_squeeze %dma_wait3A_46 : memref<1x40x128xi32, #tpu.memory_space<hbm>> -> memref<40x128xi32, #tpu.memory_space<hbm>>
        tpu.wait_dma2 semaphore(%run_scoped3A : memref<!tpu.dma_semaphore, #tpu.memory_space<semaphore_mem>>) src(%dma_wait3A_47 : memref<40x128xi32, #tpu.memory_space<hbm>>) dst(%arg6 : memref<40x128xi32, #tpu.memory_space<vmem>>)
        tpu.yield
      }) : () -> ()
      %mul3A_24 = arith.constant 40 : i32
      %mul3A_25 = arith.muli %add3A_21, %mul3A_24 : i32
      "tpu.region"() ({
        %run_scoped3A = tpu.sem_alloc : memref<!tpu.dma_semaphore, #tpu.memory_space<semaphore_mem>>
        %dma_start3A_37 = arith.constant 0 : i32
        %dma_start3A_38 = tpu.memref_slice %arg4[%add3A, %mul3A_25, %dma_start3A_37] : memref<32x160x128xi32, #tpu.memory_space<hbm>> -> memref<1x40x128xi32, #tpu.memory_space<hbm>>
        %dma_start3A_39 = tpu.memref_squeeze %dma_start3A_38 : memref<1x40x128xi32, #tpu.memory_space<hbm>> -> memref<40x128xi32, #tpu.memory_space<hbm>>
        %dma_start3A_40 = arith.constant 0 : i32
        %dma_start3A_41 = tpu.memref_slice %arg4[%add3A, %mul3A_25, %dma_start3A_40] : memref<32x160x128xi32, #tpu.memory_space<hbm>> -> memref<1x40x128xi32, #tpu.memory_space<hbm>>
        %dma_start3A_42 = tpu.memref_squeeze %dma_start3A_41 : memref<1x40x128xi32, #tpu.memory_space<hbm>> -> memref<40x128xi32, #tpu.memory_space<hbm>>
        tpu.enqueue_dma source(%dma_start3A_42 : memref<40x128xi32, #tpu.memory_space<hbm>>) target(%arg7 : memref<40x128xi32, #tpu.memory_space<vmem>>) target_semaphore(%run_scoped3A : memref<!tpu.dma_semaphore, #tpu.memory_space<semaphore_mem>>)
        %dma_wait3A = arith.constant 0 : i32
        %dma_wait3A_43 = tpu.memref_slice %arg4[%add3A, %mul3A_25, %dma_wait3A] : memref<32x160x128xi32, #tpu.memory_space<hbm>> -> memref<1x40x128xi32, #tpu.memory_space<hbm>>
        %dma_wait3A_44 = tpu.memref_squeeze %dma_wait3A_43 : memref<1x40x128xi32, #tpu.memory_space<hbm>> -> memref<40x128xi32, #tpu.memory_space<hbm>>
        %dma_wait3A_45 = arith.constant 0 : i32
        %dma_wait3A_46 = tpu.memref_slice %arg4[%add3A, %mul3A_25, %dma_wait3A_45] : memref<32x160x128xi32, #tpu.memory_space<hbm>> -> memref<1x40x128xi32, #tpu.memory_space<hbm>>
        %dma_wait3A_47 = tpu.memref_squeeze %dma_wait3A_46 : memref<1x40x128xi32, #tpu.memory_space<hbm>> -> memref<40x128xi32, #tpu.memory_space<hbm>>
        tpu.wait_dma2 semaphore(%run_scoped3A : memref<!tpu.dma_semaphore, #tpu.memory_space<semaphore_mem>>) src(%dma_wait3A_47 : memref<40x128xi32, #tpu.memory_space<hbm>>) dst(%arg7 : memref<40x128xi32, #tpu.memory_space<vmem>>)
        tpu.yield
      }) : () -> ()
      %dma_start3A = arith.constant 0 : i32
      %dma_start3A_26 = arith.constant 0 : i32
      %dma_start3A_27 = tpu.memref_slice %arg6[%dma_start3A, %dma_start3A_26] : memref<40x128xi32, #tpu.memory_space<vmem>> -> memref<1x128xi32, #tpu.memory_space<vmem>>
      %dma_start3A_28 = tpu.memref_squeeze %dma_start3A_27 : memref<1x128xi32, #tpu.memory_space<vmem>> -> memref<128xi32, #tpu.memory_space<vmem>>
      %dma_start3A_29 = arith.constant 0 : i32
      %dma_start3A_30 = arith.constant 0 : i32
      %dma_start3A_31 = tpu.memref_slice %arg2[%dma_start3A_29, %dma_start3A_30] : memref<20480x128xf32, #tpu.memory_space<hbm>> -> memref<20480x128xf32, #tpu.memory_space<hbm>>
      tpu.enqueue_indirect_dma source(%dma_start3A_31 : memref<20480x128xf32, #tpu.memory_space<hbm>>) target(%arg8 : memref<128x128xf32, #tpu.memory_space<vmem>>) offsets(%dma_start3A_28 : memref<128xi32, #tpu.memory_space<vmem>>) semaphore(%arg10 : memref<!tpu.dma_semaphore, #tpu.memory_space<semaphore_mem>>)
      %scan3A_32 = arith.constant 0 : i32
      %scan3A_33 = arith.constant 20 : i32
      %scan3A_34 = arith.addi %scan3A_32, %scan3A_33 : i32
      %scan3A_35 = arith.constant 1 : i32
      scf.for %scan3A_37 = %scan3A_32 to %scan3A_34 step %scan3A_35  : i32 {
        %mul3A_38 = arith.constant 2 : i32
        %mul3A_39 = arith.muli %scan3A_37, %mul3A_38 : i32
        %add3A_40 = arith.constant 0 : i32
        %add3A_41 = arith.addi %add3A_40, %mul3A_39 : i32
        %dma_wait3A = arith.constant 0 : i32
        %dma_wait3A_42 = tpu.memref_slice %arg6[%add3A_41, %dma_wait3A] : memref<40x128xi32, #tpu.memory_space<vmem>> -> memref<1x128xi32, #tpu.memory_space<vmem>>
        %dma_wait3A_43 = tpu.memref_squeeze %dma_wait3A_42 : memref<1x128xi32, #tpu.memory_space<vmem>> -> memref<128xi32, #tpu.memory_space<vmem>>
        %dma_wait3A_44 = arith.constant 0 : i32
        %dma_wait3A_45 = arith.constant 0 : i32
        %dma_wait3A_46 = tpu.memref_slice %arg2[%dma_wait3A_44, %dma_wait3A_45] : memref<20480x128xf32, #tpu.memory_space<hbm>> -> memref<20480x128xf32, #tpu.memory_space<hbm>>
        tpu.wait_indirect_dma semaphore(%arg10 : memref<!tpu.dma_semaphore, #tpu.memory_space<semaphore_mem>>) src(%dma_wait3A_46 : memref<20480x128xf32, #tpu.memory_space<hbm>>) dst(%arg8 : memref<128x128xf32, #tpu.memory_space<vmem>>)
        %add3A_47 = arith.constant 1 : i32
        %add3A_48 = arith.addi %add3A_41, %add3A_47 : i32
        %dma_start3A_49 = arith.constant 0 : i32
        %dma_start3A_50 = tpu.memref_slice %arg6[%add3A_48, %dma_start3A_49] : memref<40x128xi32, #tpu.memory_space<vmem>> -> memref<1x128xi32, #tpu.memory_space<vmem>>
        %dma_start3A_51 = tpu.memref_squeeze %dma_start3A_50 : memref<1x128xi32, #tpu.memory_space<vmem>> -> memref<128xi32, #tpu.memory_space<vmem>>
        %dma_start3A_52 = arith.constant 0 : i32
        %dma_start3A_53 = arith.constant 0 : i32
        %dma_start3A_54 = tpu.memref_slice %arg2[%dma_start3A_52, %dma_start3A_53] : memref<20480x128xf32, #tpu.memory_space<hbm>> -> memref<20480x128xf32, #tpu.memory_space<hbm>>
        tpu.enqueue_indirect_dma source(%dma_start3A_54 : memref<20480x128xf32, #tpu.memory_space<hbm>>) target(%arg9 : memref<128x128xf32, #tpu.memory_space<vmem>>) offsets(%dma_start3A_51 : memref<128xi32, #tpu.memory_space<vmem>>) semaphore(%arg11 : memref<!tpu.dma_semaphore, #tpu.memory_space<semaphore_mem>>)
        "tpu.region"() ({
          %run_scoped3A = tpu.sem_alloc : memref<!tpu.dma_semaphore, #tpu.memory_space<semaphore_mem>>
          %dma_start3A_69 = arith.constant 0 : i32
          %dma_start3A_70 = tpu.memref_slice %arg7[%add3A_41, %dma_start3A_69] : memref<40x128xi32, #tpu.memory_space<vmem>> -> memref<1x128xi32, #tpu.memory_space<vmem>>
          %dma_start3A_71 = tpu.memref_squeeze %dma_start3A_70 : memref<1x128xi32, #tpu.memory_space<vmem>> -> memref<128xi32, #tpu.memory_space<vmem>>
          %dma_start3A_72 = arith.constant 0 : i32
          %dma_start3A_73 = arith.constant 0 : i32
          %dma_start3A_74 = tpu.memref_slice %arg12[%dma_start3A_72, %dma_start3A_73] : memref<10240x128xf32, #tpu.memory_space<vmem_shared>> -> memref<10240x128xf32, #tpu.memory_space<vmem_shared>>
          tpu.enqueue_indirect_dma source(%arg8 : memref<128x128xf32, #tpu.memory_space<vmem>>) target(%dma_start3A_74 : memref<10240x128xf32, #tpu.memory_space<vmem_shared>>) offsets(%dma_start3A_71 : memref<128xi32, #tpu.memory_space<vmem>>) semaphore(%run_scoped3A : memref<!tpu.dma_semaphore, #tpu.memory_space<semaphore_mem>>) {add = true}
          %dma_wait3A_75 = arith.constant 0 : i32
          %dma_wait3A_76 = tpu.memref_slice %arg7[%add3A_41, %dma_wait3A_75] : memref<40x128xi32, #tpu.memory_space<vmem>> -> memref<1x128xi32, #tpu.memory_space<vmem>>
          %dma_wait3A_77 = tpu.memref_squeeze %dma_wait3A_76 : memref<1x128xi32, #tpu.memory_space<vmem>> -> memref<128xi32, #tpu.memory_space<vmem>>
          %dma_wait3A_78 = arith.constant 0 : i32
          %dma_wait3A_79 = arith.constant 0 : i32
          %dma_wait3A_80 = tpu.memref_slice %arg12[%dma_wait3A_78, %dma_wait3A_79] : memref<10240x128xf32, #tpu.memory_space<vmem_shared>> -> memref<10240x128xf32, #tpu.memory_space<vmem_shared>>
          tpu.wait_indirect_dma semaphore(%run_scoped3A : memref<!tpu.dma_semaphore, #tpu.memory_space<semaphore_mem>>) src(%arg8 : memref<128x128xf32, #tpu.memory_space<vmem>>) dst(%dma_wait3A_80 : memref<10240x128xf32, #tpu.memory_space<vmem_shared>>)
          tpu.yield
        }) : () -> ()
        %add3A_55 = arith.constant 1 : i32
        %add3A_56 = arith.addi %add3A_41, %add3A_55 : i32
        %dma_wait3A_57 = arith.constant 0 : i32
        %dma_wait3A_58 = tpu.memref_slice %arg6[%add3A_56, %dma_wait3A_57] : memref<40x128xi32, #tpu.memory_space<vmem>> -> memref<1x128xi32, #tpu.memory_space<vmem>>
        %dma_wait3A_59 = tpu.memref_squeeze %dma_wait3A_58 : memref<1x128xi32, #tpu.memory_space<vmem>> -> memref<128xi32, #tpu.memory_space<vmem>>
        %dma_wait3A_60 = arith.constant 0 : i32
        %dma_wait3A_61 = arith.constant 0 : i32
        %dma_wait3A_62 = tpu.memref_slice %arg2[%dma_wait3A_60, %dma_wait3A_61] : memref<20480x128xf32, #tpu.memory_space<hbm>> -> memref<20480x128xf32, #tpu.memory_space<hbm>>
        tpu.wait_indirect_dma semaphore(%arg11 : memref<!tpu.dma_semaphore, #tpu.memory_space<semaphore_mem>>) src(%dma_wait3A_62 : memref<20480x128xf32, #tpu.memory_space<hbm>>) dst(%arg9 : memref<128x128xf32, #tpu.memory_space<vmem>>)
        %add3A_63 = arith.constant 2 : i32
        %add3A_64 = arith.addi %add3A_41, %add3A_63 : i32
        %lt3A = arith.constant 40 : i32
        %lt3A_65 = arith.cmpi slt, %add3A_64, %lt3A : i32
        %convert_element_type3A = arith.extui %lt3A_65 : i1 to i32
        %cond3A = arith.constant 0 : i32
        %cond3A_66 = arith.cmpi ne, %convert_element_type3A, %cond3A : i32
        scf.if %cond3A_66 {
          %add3A_69 = arith.constant 2 : i32
          %add3A_70 = arith.addi %add3A_41, %add3A_69 : i32
          %dma_start3A_71 = arith.constant 0 : i32
          %dma_start3A_72 = tpu.memref_slice %arg6[%add3A_70, %dma_start3A_71] : memref<40x128xi32, #tpu.memory_space<vmem>> -> memref<1x128xi32, #tpu.memory_space<vmem>>
          %dma_start3A_73 = tpu.memref_squeeze %dma_start3A_72 : memref<1x128xi32, #tpu.memory_space<vmem>> -> memref<128xi32, #tpu.memory_space<vmem>>
          %dma_start3A_74 = arith.constant 0 : i32
          %dma_start3A_75 = arith.constant 0 : i32
          %dma_start3A_76 = tpu.memref_slice %arg2[%dma_start3A_74, %dma_start3A_75] : memref<20480x128xf32, #tpu.memory_space<hbm>> -> memref<20480x128xf32, #tpu.memory_space<hbm>>
          tpu.enqueue_indirect_dma source(%dma_start3A_76 : memref<20480x128xf32, #tpu.memory_space<hbm>>) target(%arg8 : memref<128x128xf32, #tpu.memory_space<vmem>>) offsets(%dma_start3A_73 : memref<128xi32, #tpu.memory_space<vmem>>) semaphore(%arg10 : memref<!tpu.dma_semaphore, #tpu.memory_space<semaphore_mem>>)
        } else {
        }
        %add3A_67 = arith.constant 1 : i32
        %add3A_68 = arith.addi %add3A_41, %add3A_67 : i32
        "tpu.region"() ({
          %run_scoped3A = tpu.sem_alloc : memref<!tpu.dma_semaphore, #tpu.memory_space<semaphore_mem>>
          %dma_start3A_69 = arith.constant 0 : i32
          %dma_start3A_70 = tpu.memref_slice %arg7[%add3A_68, %dma_start3A_69] : memref<40x128xi32, #tpu.memory_space<vmem>> -> memref<1x128xi32, #tpu.memory_space<vmem>>
          %dma_start3A_71 = tpu.memref_squeeze %dma_start3A_70 : memref<1x128xi32, #tpu.memory_space<vmem>> -> memref<128xi32, #tpu.memory_space<vmem>>
          %dma_start3A_72 = arith.constant 0 : i32
          %dma_start3A_73 = arith.constant 0 : i32
          %dma_start3A_74 = tpu.memref_slice %arg12[%dma_start3A_72, %dma_start3A_73] : memref<10240x128xf32, #tpu.memory_space<vmem_shared>> -> memref<10240x128xf32, #tpu.memory_space<vmem_shared>>
          tpu.enqueue_indirect_dma source(%arg9 : memref<128x128xf32, #tpu.memory_space<vmem>>) target(%dma_start3A_74 : memref<10240x128xf32, #tpu.memory_space<vmem_shared>>) offsets(%dma_start3A_71 : memref<128xi32, #tpu.memory_space<vmem>>) semaphore(%run_scoped3A : memref<!tpu.dma_semaphore, #tpu.memory_space<semaphore_mem>>) {add = true}
          %dma_wait3A_75 = arith.constant 0 : i32
          %dma_wait3A_76 = tpu.memref_slice %arg7[%add3A_68, %dma_wait3A_75] : memref<40x128xi32, #tpu.memory_space<vmem>> -> memref<1x128xi32, #tpu.memory_space<vmem>>
          %dma_wait3A_77 = tpu.memref_squeeze %dma_wait3A_76 : memref<1x128xi32, #tpu.memory_space<vmem>> -> memref<128xi32, #tpu.memory_space<vmem>>
          %dma_wait3A_78 = arith.constant 0 : i32
          %dma_wait3A_79 = arith.constant 0 : i32
          %dma_wait3A_80 = tpu.memref_slice %arg12[%dma_wait3A_78, %dma_wait3A_79] : memref<10240x128xf32, #tpu.memory_space<vmem_shared>> -> memref<10240x128xf32, #tpu.memory_space<vmem_shared>>
          tpu.wait_indirect_dma semaphore(%run_scoped3A : memref<!tpu.dma_semaphore, #tpu.memory_space<semaphore_mem>>) src(%arg9 : memref<128x128xf32, #tpu.memory_space<vmem>>) dst(%dma_wait3A_80 : memref<10240x128xf32, #tpu.memory_space<vmem_shared>>)
          tpu.yield
        }) : () -> ()
      }
      %scan3A_36 = arith.constant 20 : i32
    }
    %scan3A_11 = arith.constant 4 : i32
    %barrier3A_12 = arith.constant 0 : index
    tpu.barrier barrier_id(%barrier3A_12)
    %mul3A_13 = arith.constant 640 : i32
    %mul3A_14 = arith.muli %arg1, %mul3A_13 : i32
    %mul3A_15 = arith.constant 640 : i32
    %mul3A_16 = arith.muli %arg1, %mul3A_15 : i32
    "tpu.region"() ({
      %run_scoped3A = tpu.sem_alloc : memref<!tpu.dma_semaphore, #tpu.memory_space<semaphore_mem>>
      %dma_start3A = arith.constant 0 : i32
      %dma_start3A_17 = tpu.memref_slice %arg5[%arg0, %mul3A_16, %dma_start3A] : memref<2x10240x128xf32, #tpu.memory_space<hbm>> -> memref<1x640x128xf32, #tpu.memory_space<hbm>>
      %dma_start3A_18 = tpu.memref_squeeze %dma_start3A_17 : memref<1x640x128xf32, #tpu.memory_space<hbm>> -> memref<640x128xf32, #tpu.memory_space<hbm>>
      %dma_start3A_19 = arith.constant 0 : i32
      %dma_start3A_20 = tpu.memref_slice %arg12[%mul3A_14, %dma_start3A_19] : memref<10240x128xf32, #tpu.memory_space<vmem_shared>> -> memref<640x128xf32, #tpu.memory_space<vmem_shared>>
      tpu.enqueue_dma source(%dma_start3A_20 : memref<640x128xf32, #tpu.memory_space<vmem_shared>>) target(%dma_start3A_18 : memref<640x128xf32, #tpu.memory_space<hbm>>) target_semaphore(%run_scoped3A : memref<!tpu.dma_semaphore, #tpu.memory_space<semaphore_mem>>)
      %dma_wait3A = arith.constant 0 : i32
      %dma_wait3A_21 = tpu.memref_slice %arg5[%arg0, %mul3A_16, %dma_wait3A] : memref<2x10240x128xf32, #tpu.memory_space<hbm>> -> memref<1x640x128xf32, #tpu.memory_space<hbm>>
      %dma_wait3A_22 = tpu.memref_squeeze %dma_wait3A_21 : memref<1x640x128xf32, #tpu.memory_space<hbm>> -> memref<640x128xf32, #tpu.memory_space<hbm>>
      %dma_wait3A_23 = arith.constant 0 : i32
      %dma_wait3A_24 = tpu.memref_slice %arg12[%mul3A_14, %dma_wait3A_23] : memref<10240x128xf32, #tpu.memory_space<vmem_shared>> -> memref<640x128xf32, #tpu.memory_space<vmem_shared>>
      tpu.wait_dma2 semaphore(%run_scoped3A : memref<!tpu.dma_semaphore, #tpu.memory_space<semaphore_mem>>) src(%dma_wait3A_24 : memref<640x128xf32, #tpu.memory_space<vmem_shared>>) dst(%dma_wait3A_22 : memref<640x128xf32, #tpu.memory_space<hbm>>)
      tpu.yield
    }) : () -> ()
    return
  }
}

module attributes {stable_mosaic.version = 14 : i64} {
  func.func @_scale_body(%arg0: memref<10240x128xf32, #tpu.memory_space<vmem>>, %arg1: memref<2x16x10240xf32, #tpu.memory_space<vmem>>, %arg2: memref<2x10240x128xf32, #tpu.memory_space<vmem>>, %arg3: memref<2x10240x128xf32, #tpu.memory_space<vmem>>) attributes {dimension_semantics = [], scalar_prefetch = 0 : i64, scratch_operands = 0 : i64, tpu.core_type = #tpu.core_type<tc>} {
    %get3A = arith.constant 0 : index
    %get3A_0 = arith.constant 0 : index
    %get3A_1 = vector.load %arg0[%get3A, %get3A_0] : memref<10240x128xf32, #tpu.memory_space<vmem>>, vector<10240x128xf32>
    %get3A_2 = arith.constant 0 : index
    %get3A_3 = arith.constant 0 : index
    %get3A_4 = arith.constant 0 : index
    %get3A_5 = vector.load %arg1[%get3A_2, %get3A_3, %get3A_4] : memref<2x16x10240xf32, #tpu.memory_space<vmem>>, vector<2x16x10240xf32>
    %reduce_sum3A = arith.constant dense<0.000000e+00> : vector<2x10240xf32>
    %reduce_sum3A_6 = vector.multi_reduction <add>, %get3A_5, %reduce_sum3A [1] : vector<2x16x10240xf32> to vector<2x10240xf32>
    %broadcast_in_dim3A = vector.shape_cast %reduce_sum3A_6 : vector<2x10240xf32> to vector<2x10240x1xf32>
    %add3A = arith.constant 1.000000e+00 : f32
    %add3A_7 = vector.broadcast %add3A : f32 to vector<2x10240x1xf32>
    %add3A_8 = arith.addf %broadcast_in_dim3A, %add3A_7 : vector<2x10240x1xf32>
    %rsqrt3A = math.rsqrt %add3A_8 : vector<2x10240x1xf32>
    %broadcast_in_dim3A_9 = vector.shape_cast %get3A_1 : vector<10240x128xf32> to vector<1x10240x128xf32>
    %mul3A = vector.broadcast %rsqrt3A : vector<2x10240x1xf32> to vector<2x10240x128xf32>
    %mul3A_10 = vector.broadcast %broadcast_in_dim3A_9 : vector<1x10240x128xf32> to vector<2x10240x128xf32>
    %mul3A_11 = arith.mulf %mul3A, %mul3A_10 : vector<2x10240x128xf32>
    %swap3A = arith.constant 0 : index
    %swap3A_12 = arith.constant 0 : index
    %swap3A_13 = arith.constant 0 : index
    %swap3A_14 = vector.load %arg2[%swap3A, %swap3A_12, %swap3A_13] : memref<2x10240x128xf32, #tpu.memory_space<vmem>>, vector<2x10240x128xf32>
    tpu.vector_store %arg2[%swap3A, %swap3A_12, %swap3A_13], %mul3A_11 {strides = array<i32>} : memref<2x10240x128xf32, #tpu.memory_space<vmem>>, vector<2x10240x128xf32>,
    %broadcast_in_dim3A_15 = vector.shape_cast %rsqrt3A : vector<2x10240x1xf32> to vector<2x10240x1xf32>
    %broadcast_in_dim3A_16 = vector.broadcast %broadcast_in_dim3A_15 : vector<2x10240x1xf32> to vector<2x10240x128xf32>
    %swap3A_17 = arith.constant 0 : index
    %swap3A_18 = arith.constant 0 : index
    %swap3A_19 = arith.constant 0 : index
    %swap3A_20 = vector.load %arg3[%swap3A_17, %swap3A_18, %swap3A_19] : memref<2x10240x128xf32, #tpu.memory_space<vmem>>, vector<2x10240x128xf32>
    tpu.vector_store %arg3[%swap3A_17, %swap3A_18, %swap3A_19], %broadcast_in_dim3A_16 {strides = array<i32>} : memref<2x10240x128xf32, #tpu.memory_space<vmem>>, vector<2x10240x128xf32>,
    return
  }
}

module attributes {stable_mosaic.version = 14 : i64} {
  func.func @_mlp_body(%arg0: i32, %arg1: memref<2x1280x128xf32, #tpu.memory_space<vmem>>, %arg2: memref<2x1280x128xf32, #tpu.memory_space<vmem>>, %arg3: memref<128x256xf32, #tpu.memory_space<vmem>>, %arg4: memref<256xf32, #tpu.memory_space<vmem>>, %arg5: memref<256x128xf32, #tpu.memory_space<vmem>>, %arg6: memref<128x256xf32, #tpu.memory_space<vmem>>, %arg7: memref<256xf32, #tpu.memory_space<vmem>>, %arg8: memref<256x128xf32, #tpu.memory_space<vmem>>, %arg9: memref<2x1280x128xf32, #tpu.memory_space<vmem>>) attributes {dimension_semantics = [#tpu.dimension_semantics<arbitrary>], iteration_bounds = array<i64: 8>, scalar_prefetch = 0 : i64, scratch_operands = 0 : i64, tpu.core_type = #tpu.core_type<tc>, window_params = [{transform_indices = @transform_0, window_bounds = array<i64: 2, 1280, 128>}, {transform_indices = @transform_1, window_bounds = array<i64: 2, 1280, 128>}, {pipeline_mode = #tpu.pipeline_mode<synchronous>, transform_indices = @transform_2, window_bounds = array<i64: 128, 256>}, {pipeline_mode = #tpu.pipeline_mode<synchronous>, transform_indices = @transform_3, window_bounds = array<i64: 256>}, {pipeline_mode = #tpu.pipeline_mode<synchronous>, transform_indices = @transform_4, window_bounds = array<i64: 256, 128>}, {pipeline_mode = #tpu.pipeline_mode<synchronous>, transform_indices = @transform_5, window_bounds = array<i64: 128, 256>}, {pipeline_mode = #tpu.pipeline_mode<synchronous>, transform_indices = @transform_6, window_bounds = array<i64: 256>}, {pipeline_mode = #tpu.pipeline_mode<synchronous>, transform_indices = @transform_7, window_bounds = array<i64: 256, 128>}, {transform_indices = @transform_8, window_bounds = array<i64: 2, 1280, 128>}]} {
    %get3A = arith.constant 0 : index
    %get3A_0 = arith.constant 0 : index
    %get3A_1 = arith.constant 0 : index
    %get3A_2 = vector.load %arg2[%get3A, %get3A_0, %get3A_1] : memref<2x1280x128xf32, #tpu.memory_space<vmem>>, vector<1x1280x128xf32>
    %get3A_3 = vector.shape_cast %get3A_2 : vector<1x1280x128xf32> to vector<1280x128xf32>
    %get3A_4 = arith.constant 0 : index
    %get3A_5 = arith.constant 0 : index
    %get3A_6 = arith.constant 0 : index
    %get3A_7 = vector.load %arg1[%get3A_4, %get3A_5, %get3A_6] : memref<2x1280x128xf32, #tpu.memory_space<vmem>>, vector<1x1280x128xf32>
    %get3A_8 = vector.shape_cast %get3A_7 : vector<1x1280x128xf32> to vector<1280x128xf32>
    %mul3A = arith.mulf %get3A_3, %get3A_8 : vector<1280x128xf32>
    %get3A_9 = arith.constant 0 : index
    %get3A_10 = arith.constant 0 : index
    %get3A_11 = vector.load %arg3[%get3A_9, %get3A_10] : memref<128x256xf32, #tpu.memory_space<vmem>>, vector<128x256xf32>
    %dot_general3A = arith.constant dense<0.000000e+00> : vector<1280x256xf32>
    %dot_general3A_12 = tpu.matmul %mul3A, %get3A_11, %dot_general3A {dimension_numbers = #tpu.dot_dimension_numbers<[1], [0], [0], [1], [0, 0, 1, 1], [], []>, transpose_lhs_hint = false} : vector<1280x128xf32>, vector<128x256xf32>, vector<1280x256xf32> -> vector<1280x256xf32>
    %get3A_13 = arith.constant 0 : index
    %get3A_14 = vector.load %arg4[%get3A_13] : memref<256xf32, #tpu.memory_space<vmem>>, vector<256xf32>
    %broadcast_in_dim3A = vector.shape_cast %get3A_14 : vector<256xf32> to vector<1x256xf32>
    %add3A = vector.broadcast %broadcast_in_dim3A : vector<1x256xf32> to vector<1280x256xf32>
    %add3A_15 = arith.addf %dot_general3A_12, %add3A : vector<1280x256xf32>
    %gt3A = arith.constant 0.000000e+00 : f32
    %gt3A_16 = vector.broadcast %gt3A : f32 to vector<1280x256xf32>
    %gt3A_17 = arith.cmpf ogt, %add3A_15, %gt3A_16 : vector<1280x256xf32>
    %min3A = arith.constant 0.000000e+00 : f32
    %min3A_18 = vector.broadcast %min3A : f32 to vector<1280x256xf32>
    %min3A_19 = arith.minimumf %add3A_15, %min3A_18 : vector<1280x256xf32>
    %exp3A = math.exp %min3A_19 : vector<1280x256xf32>
    %sub3A = arith.constant 1.000000e+00 : f32
    %sub3A_20 = vector.broadcast %sub3A : f32 to vector<1280x256xf32>
    %sub3A_21 = arith.subf %exp3A, %sub3A_20 : vector<1280x256xf32>
    %select_n3A = arith.select %gt3A_17, %add3A_15, %sub3A_21 : vector<1280x256xi1>, vector<1280x256xf32>
    %get3A_22 = arith.constant 0 : index
    %get3A_23 = arith.constant 0 : index
    %get3A_24 = vector.load %arg5[%get3A_22, %get3A_23] : memref<256x128xf32, #tpu.memory_space<vmem>>, vector<256x128xf32>
    %dot_general3A_25 = arith.constant dense<0.000000e+00> : vector<1280x128xf32>
    %dot_general3A_26 = tpu.matmul %select_n3A, %get3A_24, %dot_general3A_25 {dimension_numbers = #tpu.dot_dimension_numbers<[1], [0], [0], [1], [0, 0, 1, 1], [], []>, transpose_lhs_hint = false} : vector<1280x256xf32>, vector<256x128xf32>, vector<1280x128xf32> -> vector<1280x128xf32>
    %mul3A_27 = arith.mulf %get3A_3, %dot_general3A_26 : vector<1280x128xf32>
    %swap3A = arith.constant 0 : index
    %swap3A_28 = arith.constant 0 : index
    %swap3A_29 = arith.constant 0 : index
    %swap3A_30 = vector.load %arg9[%swap3A, %swap3A_28, %swap3A_29] : memref<2x1280x128xf32, #tpu.memory_space<vmem>>, vector<1x1280x128xf32>
    %swap3A_31 = vector.shape_cast %swap3A_30 : vector<1x1280x128xf32> to vector<1280x128xf32>
    %swap3A_32 = vector.shape_cast %mul3A_27 : vector<1280x128xf32> to vector<1x1280x128xf32>
    tpu.vector_store %arg9[%swap3A, %swap3A_28, %swap3A_29], %swap3A_32 {strides = array<i32>} : memref<2x1280x128xf32, #tpu.memory_space<vmem>>, vector<1x1280x128xf32>,
    %get3A_33 = arith.constant 1 : index
    %get3A_34 = arith.constant 0 : index
    %get3A_35 = arith.constant 0 : index
    %get3A_36 = vector.load %arg2[%get3A_33, %get3A_34, %get3A_35] : memref<2x1280x128xf32, #tpu.memory_space<vmem>>, vector<1x1280x128xf32>
    %get3A_37 = vector.shape_cast %get3A_36 : vector<1x1280x128xf32> to vector<1280x128xf32>
    %get3A_38 = arith.constant 1 : index
    %get3A_39 = arith.constant 0 : index
    %get3A_40 = arith.constant 0 : index
    %get3A_41 = vector.load %arg1[%get3A_38, %get3A_39, %get3A_40] : memref<2x1280x128xf32, #tpu.memory_space<vmem>>, vector<1x1280x128xf32>
    %get3A_42 = vector.shape_cast %get3A_41 : vector<1x1280x128xf32> to vector<1280x128xf32>
    %mul3A_43 = arith.mulf %get3A_37, %get3A_42 : vector<1280x128xf32>
    %get3A_44 = arith.constant 0 : index
    %get3A_45 = arith.constant 0 : index
    %get3A_46 = vector.load %arg6[%get3A_44, %get3A_45] : memref<128x256xf32, #tpu.memory_space<vmem>>, vector<128x256xf32>
    %dot_general3A_47 = arith.constant dense<0.000000e+00> : vector<1280x256xf32>
    %dot_general3A_48 = tpu.matmul %mul3A_43, %get3A_46, %dot_general3A_47 {dimension_numbers = #tpu.dot_dimension_numbers<[1], [0], [0], [1], [0, 0, 1, 1], [], []>, transpose_lhs_hint = false} : vector<1280x128xf32>, vector<128x256xf32>, vector<1280x256xf32> -> vector<1280x256xf32>
    %get3A_49 = arith.constant 0 : index
    %get3A_50 = vector.load %arg7[%get3A_49] : memref<256xf32, #tpu.memory_space<vmem>>, vector<256xf32>
    %broadcast_in_dim3A_51 = vector.shape_cast %get3A_50 : vector<256xf32> to vector<1x256xf32>
    %add3A_52 = vector.broadcast %broadcast_in_dim3A_51 : vector<1x256xf32> to vector<1280x256xf32>
    %add3A_53 = arith.addf %dot_general3A_48, %add3A_52 : vector<1280x256xf32>
    %gt3A_54 = arith.constant 0.000000e+00 : f32
    %gt3A_55 = vector.broadcast %gt3A_54 : f32 to vector<1280x256xf32>
    %gt3A_56 = arith.cmpf ogt, %add3A_53, %gt3A_55 : vector<1280x256xf32>
    %min3A_57 = arith.constant 0.000000e+00 : f32
    %min3A_58 = vector.broadcast %min3A_57 : f32 to vector<1280x256xf32>
    %min3A_59 = arith.minimumf %add3A_53, %min3A_58 : vector<1280x256xf32>
    %exp3A_60 = math.exp %min3A_59 : vector<1280x256xf32>
    %sub3A_61 = arith.constant 1.000000e+00 : f32
    %sub3A_62 = vector.broadcast %sub3A_61 : f32 to vector<1280x256xf32>
    %sub3A_63 = arith.subf %exp3A_60, %sub3A_62 : vector<1280x256xf32>
    %select_n3A_64 = arith.select %gt3A_56, %add3A_53, %sub3A_63 : vector<1280x256xi1>, vector<1280x256xf32>
    %get3A_65 = arith.constant 0 : index
    %get3A_66 = arith.constant 0 : index
    %get3A_67 = vector.load %arg8[%get3A_65, %get3A_66] : memref<256x128xf32, #tpu.memory_space<vmem>>, vector<256x128xf32>
    %dot_general3A_68 = arith.constant dense<0.000000e+00> : vector<1280x128xf32>
    %dot_general3A_69 = tpu.matmul %select_n3A_64, %get3A_67, %dot_general3A_68 {dimension_numbers = #tpu.dot_dimension_numbers<[1], [0], [0], [1], [0, 0, 1, 1], [], []>, transpose_lhs_hint = false} : vector<1280x256xf32>, vector<256x128xf32>, vector<1280x128xf32> -> vector<1280x128xf32>
    %mul3A_70 = arith.mulf %get3A_37, %dot_general3A_69 : vector<1280x128xf32>
    %swap3A_71 = arith.constant 1 : index
    %swap3A_72 = arith.constant 0 : index
    %swap3A_73 = arith.constant 0 : index
    %swap3A_74 = vector.load %arg9[%swap3A_71, %swap3A_72, %swap3A_73] : memref<2x1280x128xf32, #tpu.memory_space<vmem>>, vector<1x1280x128xf32>
    %swap3A_75 = vector.shape_cast %swap3A_74 : vector<1x1280x128xf32> to vector<1280x128xf32>
    %swap3A_76 = vector.shape_cast %mul3A_70 : vector<1280x128xf32> to vector<1x1280x128xf32>
    tpu.vector_store %arg9[%swap3A_71, %swap3A_72, %swap3A_73], %swap3A_76 {strides = array<i32>} : memref<2x1280x128xf32, #tpu.memory_space<vmem>>, vector<1x1280x128xf32>,
    return
  }
  func.func @transform_0(%arg0: i32) -> (i32, i32, i32) {
    %c0_i32 = arith.constant 0 : i32
    %c0_i32_0 = arith.constant 0 : i32
    %c0_i32_1 = arith.constant 0 : i32
    return %c0_i32, %arg0, %c0_i32_0 : i32, i32, i32
  }
  func.func @transform_1(%arg0: i32) -> (i32, i32, i32) {
    %c0_i32 = arith.constant 0 : i32
    %c0_i32_0 = arith.constant 0 : i32
    %c0_i32_1 = arith.constant 0 : i32
    return %c0_i32, %arg0, %c0_i32_0 : i32, i32, i32
  }
  func.func @transform_2(%arg0: i32) -> (i32, i32) {
    %c0_i32 = arith.constant 0 : i32
    %c0_i32_0 = arith.constant 0 : i32
    %c0_i32_1 = arith.constant 0 : i32
    return %c0_i32, %c0_i32_0 : i32, i32
  }
  func.func @transform_3(%arg0: i32) -> i32 {
    %c0_i32 = arith.constant 0 : i32
    %c0_i32_0 = arith.constant 0 : i32
    return %c0_i32 : i32
  }
  func.func @transform_4(%arg0: i32) -> (i32, i32) {
    %c0_i32 = arith.constant 0 : i32
    %c0_i32_0 = arith.constant 0 : i32
    %c0_i32_1 = arith.constant 0 : i32
    return %c0_i32, %c0_i32_0 : i32, i32
  }
  func.func @transform_5(%arg0: i32) -> (i32, i32) {
    %c0_i32 = arith.constant 0 : i32
    %c0_i32_0 = arith.constant 0 : i32
    %c0_i32_1 = arith.constant 0 : i32
    return %c0_i32, %c0_i32_0 : i32, i32
  }
  func.func @transform_6(%arg0: i32) -> i32 {
    %c0_i32 = arith.constant 0 : i32
    %c0_i32_0 = arith.constant 0 : i32
    return %c0_i32 : i32
  }
  func.func @transform_7(%arg0: i32) -> (i32, i32) {
    %c0_i32 = arith.constant 0 : i32
    %c0_i32_0 = arith.constant 0 : i32
    %c0_i32_1 = arith.constant 0 : i32
    return %c0_i32, %c0_i32_0 : i32, i32
  }
  func.func @transform_8(%arg0: i32) -> (i32, i32, i32) {
    %c0_i32 = arith.constant 0 : i32
    %c0_i32_0 = arith.constant 0 : i32
    %c0_i32_1 = arith.constant 0 : i32
    return %c0_i32, %arg0, %c0_i32_0 : i32, i32, i32
  }
}

module attributes {stable_mosaic.version = 14 : i64} {
  func.func @_final_body(%arg0: memref<2x10240x128xf32, #tpu.memory_space<vmem>>, %arg1: memref<2x10240x128xf32, #tpu.memory_space<vmem>>, %arg2: memref<128xf32, #tpu.memory_space<vmem>>, %arg3: memref<128xf32, #tpu.memory_space<vmem>>, %arg4: memref<10240xi32, #tpu.memory_space<vmem>>, %arg5: memref<256x4xf32, #tpu.memory_space<vmem>>, %arg6: memref<4xf32, #tpu.memory_space<vmem>>, %arg7: memref<64x4xf32, #tpu.memory_space<vmem>>) attributes {dimension_semantics = [], scalar_prefetch = 0 : i64, scratch_operands = 0 : i64, tpu.core_type = #tpu.core_type<tc>} {
    %get3A = arith.constant 0 : index
    %get3A_0 = arith.constant 0 : index
    %get3A_1 = arith.constant 0 : index
    %get3A_2 = vector.load %arg1[%get3A, %get3A_0, %get3A_1] : memref<2x10240x128xf32, #tpu.memory_space<vmem>>, vector<1x10240x128xf32>
    %get3A_3 = vector.shape_cast %get3A_2 : vector<1x10240x128xf32> to vector<10240x128xf32>
    %get3A_4 = arith.constant 0 : index
    %get3A_5 = arith.constant 0 : index
    %get3A_6 = arith.constant 0 : index
    %get3A_7 = vector.load %arg0[%get3A_4, %get3A_5, %get3A_6] : memref<2x10240x128xf32, #tpu.memory_space<vmem>>, vector<1x10240x128xf32>
    %get3A_8 = vector.shape_cast %get3A_7 : vector<1x10240x128xf32> to vector<10240x128xf32>
    %mul3A = arith.mulf %get3A_3, %get3A_8 : vector<10240x128xf32>
    %get3A_9 = arith.constant 0 : index
    %get3A_10 = vector.load %arg2[%get3A_9] : memref<128xf32, #tpu.memory_space<vmem>>, vector<128xf32>
    %broadcast_in_dim3A = vector.shape_cast %get3A_10 : vector<128xf32> to vector<1x128xf32>
    %add3A = vector.broadcast %broadcast_in_dim3A : vector<1x128xf32> to vector<10240x128xf32>
    %add3A_11 = arith.addf %mul3A, %add3A : vector<10240x128xf32>
    %gt3A = arith.constant 0.000000e+00 : f32
    %gt3A_12 = vector.broadcast %gt3A : f32 to vector<10240x128xf32>
    %gt3A_13 = arith.cmpf ogt, %add3A_11, %gt3A_12 : vector<10240x128xf32>
    %min3A = arith.constant 0.000000e+00 : f32
    %min3A_14 = vector.broadcast %min3A : f32 to vector<10240x128xf32>
    %min3A_15 = arith.minimumf %add3A_11, %min3A_14 : vector<10240x128xf32>
    %exp3A = math.exp %min3A_15 : vector<10240x128xf32>
    %sub3A = arith.constant 1.000000e+00 : f32
    %sub3A_16 = vector.broadcast %sub3A : f32 to vector<10240x128xf32>
    %sub3A_17 = arith.subf %exp3A, %sub3A_16 : vector<10240x128xf32>
    %select_n3A = arith.select %gt3A_13, %add3A_11, %sub3A_17 : vector<10240x128xi1>, vector<10240x128xf32>
    %get3A_18 = arith.constant 1 : index
    %get3A_19 = arith.constant 0 : index
    %get3A_20 = arith.constant 0 : index
    %get3A_21 = vector.load %arg1[%get3A_18, %get3A_19, %get3A_20] : memref<2x10240x128xf32, #tpu.memory_space<vmem>>, vector<1x10240x128xf32>
    %get3A_22 = vector.shape_cast %get3A_21 : vector<1x10240x128xf32> to vector<10240x128xf32>
    %get3A_23 = arith.constant 1 : index
    %get3A_24 = arith.constant 0 : index
    %get3A_25 = arith.constant 0 : index
    %get3A_26 = vector.load %arg0[%get3A_23, %get3A_24, %get3A_25] : memref<2x10240x128xf32, #tpu.memory_space<vmem>>, vector<1x10240x128xf32>
    %get3A_27 = vector.shape_cast %get3A_26 : vector<1x10240x128xf32> to vector<10240x128xf32>
    %mul3A_28 = arith.mulf %get3A_22, %get3A_27 : vector<10240x128xf32>
    %get3A_29 = arith.constant 0 : index
    %get3A_30 = vector.load %arg3[%get3A_29] : memref<128xf32, #tpu.memory_space<vmem>>, vector<128xf32>
    %broadcast_in_dim3A_31 = vector.shape_cast %get3A_30 : vector<128xf32> to vector<1x128xf32>
    %add3A_32 = vector.broadcast %broadcast_in_dim3A_31 : vector<1x128xf32> to vector<10240x128xf32>
    %add3A_33 = arith.addf %mul3A_28, %add3A_32 : vector<10240x128xf32>
    %gt3A_34 = arith.constant 0.000000e+00 : f32
    %gt3A_35 = vector.broadcast %gt3A_34 : f32 to vector<10240x128xf32>
    %gt3A_36 = arith.cmpf ogt, %add3A_33, %gt3A_35 : vector<10240x128xf32>
    %min3A_37 = arith.constant 0.000000e+00 : f32
    %min3A_38 = vector.broadcast %min3A_37 : f32 to vector<10240x128xf32>
    %min3A_39 = arith.minimumf %add3A_33, %min3A_38 : vector<10240x128xf32>
    %exp3A_40 = math.exp %min3A_39 : vector<10240x128xf32>
    %sub3A_41 = arith.constant 1.000000e+00 : f32
    %sub3A_42 = vector.broadcast %sub3A_41 : f32 to vector<10240x128xf32>
    %sub3A_43 = arith.subf %exp3A_40, %sub3A_42 : vector<10240x128xf32>
    %select_n3A_44 = arith.select %gt3A_36, %add3A_33, %sub3A_43 : vector<10240x128xi1>, vector<10240x128xf32>
    %iota3A = tpu.iota {dimensions = array<i32: 0>} : vector<64x10240xi32>
    %get3A_45 = arith.constant 0 : index
    %get3A_46 = vector.load %arg4[%get3A_45] : memref<10240xi32, #tpu.memory_space<vmem>>, vector<10240xi32>
    %broadcast_in_dim3A_47 = vector.shape_cast %get3A_46 : vector<10240xi32> to vector<1x10240xi32>
    %eq3A = vector.broadcast %broadcast_in_dim3A_47 : vector<1x10240xi32> to vector<64x10240xi32>
    %eq3A_48 = arith.cmpi eq, %eq3A, %iota3A : vector<64x10240xi32>
    %convert_element_type3A = arith.extui %eq3A_48 : vector<64x10240xi1> to vector<64x10240xi32>
    %convert_element_type3A_49 = arith.sitofp %convert_element_type3A : vector<64x10240xi32> to vector<64x10240xf32>
    %reduce_sum3A = arith.constant dense<0.000000e+00> : vector<64xf32>
    %reduce_sum3A_50 = vector.multi_reduction <add>, %convert_element_type3A_49, %reduce_sum3A [1] : vector<64x10240xf32> to vector<64xf32>
    %broadcast_in_dim3A_51 = vector.shape_cast %reduce_sum3A_50 : vector<64xf32> to vector<64x1xf32>
    %max3A = arith.constant 1.000000e+00 : f32
    %max3A_52 = vector.broadcast %max3A : f32 to vector<64x1xf32>
    %max3A_53 = arith.maximumf %broadcast_in_dim3A_51, %max3A_52 : vector<64x1xf32>
    %div3A = arith.constant 1.000000e+00 : f32
    %div3A_54 = vector.broadcast %div3A : f32 to vector<64x1xf32>
    %div3A_55 = arith.divf %div3A_54, %max3A_53 : vector<64x1xf32>
    %dot_general3A = arith.constant dense<0.000000e+00> : vector<64x128xf32>
    %dot_general3A_56 = tpu.matmul %convert_element_type3A_49, %select_n3A, %dot_general3A {dimension_numbers = #tpu.dot_dimension_numbers<[1], [0], [0], [1], [0, 0, 1, 1], [], []>, transpose_lhs_hint = false} : vector<64x10240xf32>, vector<10240x128xf32>, vector<64x128xf32> -> vector<64x128xf32>
    %mul3A_57 = vector.broadcast %div3A_55 : vector<64x1xf32> to vector<64x128xf32>
    %mul3A_58 = arith.mulf %dot_general3A_56, %mul3A_57 : vector<64x128xf32>
    %dot_general3A_59 = arith.constant dense<0.000000e+00> : vector<64x128xf32>
    %dot_general3A_60 = tpu.matmul %convert_element_type3A_49, %select_n3A_44, %dot_general3A_59 {dimension_numbers = #tpu.dot_dimension_numbers<[1], [0], [0], [1], [0, 0, 1, 1], [], []>, transpose_lhs_hint = false} : vector<64x10240xf32>, vector<10240x128xf32>, vector<64x128xf32> -> vector<64x128xf32>
    %mul3A_61 = vector.broadcast %div3A_55 : vector<64x1xf32> to vector<64x128xf32>
    %mul3A_62 = arith.mulf %dot_general3A_60, %mul3A_61 : vector<64x128xf32>
    %get3A_63 = arith.constant 0 : index
    %get3A_64 = arith.constant 0 : index
    %get3A_65 = vector.load %arg5[%get3A_63, %get3A_64] : memref<256x4xf32, #tpu.memory_space<vmem>>, vector<128x4xf32>
    %dot_general3A_66 = arith.constant dense<0.000000e+00> : vector<64x4xf32>
    %dot_general3A_67 = tpu.matmul %mul3A_58, %get3A_65, %dot_general3A_66 {dimension_numbers = #tpu.dot_dimension_numbers<[1], [0], [0], [1], [0, 0, 1, 1], [], []>, transpose_lhs_hint = false} : vector<64x128xf32>, vector<128x4xf32>, vector<64x4xf32> -> vector<64x4xf32>
    %get3A_68 = arith.constant 128 : index
    %get3A_69 = arith.constant 0 : index
    %get3A_70 = vector.load %arg5[%get3A_68, %get3A_69] : memref<256x4xf32, #tpu.memory_space<vmem>>, vector<128x4xf32>
    %dot_general3A_71 = arith.constant dense<0.000000e+00> : vector<64x4xf32>
    %dot_general3A_72 = tpu.matmul %mul3A_62, %get3A_70, %dot_general3A_71 {dimension_numbers = #tpu.dot_dimension_numbers<[1], [0], [0], [1], [0, 0, 1, 1], [], []>, transpose_lhs_hint = false} : vector<64x128xf32>, vector<128x4xf32>, vector<64x4xf32> -> vector<64x4xf32>
    %add3A_73 = arith.addf %dot_general3A_67, %dot_general3A_72 : vector<64x4xf32>
    %get3A_74 = arith.constant 0 : index
    %get3A_75 = vector.load %arg6[%get3A_74] : memref<4xf32, #tpu.memory_space<vmem>>, vector<4xf32>
    %broadcast_in_dim3A_76 = vector.shape_cast %get3A_75 : vector<4xf32> to vector<1x4xf32>
    %add3A_77 = vector.broadcast %broadcast_in_dim3A_76 : vector<1x4xf32> to vector<64x4xf32>
    %add3A_78 = arith.addf %add3A_73, %add3A_77 : vector<64x4xf32>
    %reduce_max3A = arith.constant dense<0xFF800000> : vector<64xf32>
    %reduce_max3A_79 = vector.multi_reduction <maximumf>, %add3A_78, %reduce_max3A [1] : vector<64x4xf32> to vector<64xf32>
    %broadcast_in_dim3A_80 = vector.shape_cast %reduce_max3A_79 : vector<64xf32> to vector<64x1xf32>
    %sub3A_81 = vector.broadcast %broadcast_in_dim3A_80 : vector<64x1xf32> to vector<64x4xf32>
    %sub3A_82 = arith.subf %add3A_78, %sub3A_81 : vector<64x4xf32>
    %exp3A_83 = math.exp %sub3A_82 : vector<64x4xf32>
    %reduce_sum3A_84 = arith.constant dense<0.000000e+00> : vector<64xf32>
    %reduce_sum3A_85 = vector.multi_reduction <add>, %exp3A_83, %reduce_sum3A_84 [1] : vector<64x4xf32> to vector<64xf32>
    %broadcast_in_dim3A_86 = vector.shape_cast %reduce_sum3A_85 : vector<64xf32> to vector<64x1xf32>
    %log3A = math.log %broadcast_in_dim3A_86 : vector<64x1xf32>
    %add3A_87 = arith.addf %log3A, %broadcast_in_dim3A_80 : vector<64x1xf32>
    %sub3A_88 = vector.broadcast %add3A_87 : vector<64x1xf32> to vector<64x4xf32>
    %sub3A_89 = arith.subf %add3A_78, %sub3A_88 : vector<64x4xf32>
    %swap3A = arith.constant 0 : index
    %swap3A_90 = arith.constant 0 : index
    %swap3A_91 = vector.load %arg7[%swap3A, %swap3A_90] : memref<64x4xf32, #tpu.memory_space<vmem>>, vector<64x4xf32>
    tpu.vector_store %arg7[%swap3A, %swap3A_90], %sub3A_89 {strides = array<i32>} : memref<64x4xf32, #tpu.memory_space<vmem>>, vector<64x4xf32>,
    return
  }
}

</mosaic_0001>

<sc_bundles>
// kernel: kernel.11.cloned.1.call-start
scs
__scs_entry_jumppad:
0x0: {  	(pc) =	sbr.rel $0x88, $3  }
0x1: {  	(tag) =	ssettag $0x0;
	lr =	simm.s32 $0x1  }
0x2: {  	[smem:$0x3F93] =	sst lr;
	_ =	strace $0xD0000000  }
0x3: {  	_ = 	snop  }
0x4: {  	_ = 	snop  }
0x5: {  	_ = 	snop  }
0x6: {  	_ = 	snop  }
0x7: {  	_ = 	snop  }
__scs_overlays_trampoline_lowered:
0x8: {  	[smem:$0x3FA2] =	sst s0  }
0x9: {  	[smem:$0x3FA3] =	sst s1  }
0xa: {  	[smem:$0x3FA4] =	sst s2  }
0xb: {  	[smem:$0x3FA5] =	sst s3  }
0xc: {  	[smem:$0x3FA6] =	sst s4  }
0xd: {  	[smem:$0x3FA7] =	sst s5  }
0xe: {  	[smem:$0x3FA8] =	sst s6  }
0xf: {  	[smem:$0x3FA9] =	sst s7  }
0x10: {  	[smem:$0x3FAA] =	sst s8  }
0x11: {  	[smem:$0x3FAB] =	sst s9;
	s0 =	simm.s32 @!p0 $0x0  }
0x12: {  	s1 =	sld [smem:$0x3F91];
	s0 =	simm.s32 @p0 $0x1  }
0x13: {  	[smem:$0x3FAC] =	sst s0;
	s0 =	simm.s32 @!p1 $0x0  }
0x14: {  	s2 =	sld [smem:$0x3F90];
	s0 =	simm.s32 @p1 $0x1  }
0x15: {  	[smem:$0x3FAD] =	sst s0;
	s0 =	simm.s32 @!p2 $0x0  }
0x16: {  	s3 =	sld [smem:$0x3FDB];
	s0 =	simm.s32 @p2 $0x1  }
0x17: {  	s4 =	simm.s32 $0x1BF5;
	[smem:$0x3FAF] =	sst s0  }
0x18: {  	s0 =	sld [smem:$0x3F92];
	_ =	swait.ge [sflag:s4], $0x0  }
0x19: {  	s7 =	sld [smem:$0x3F93]  }
0x1a: {  	s8 =	sadd.s32 $0xFFFFE003, lr  }
0x1b: {  	s9 =	sadd.s32 $0xFFFFFEF7, lr;
	s5 =	simm.s32 $0xFFFFFFFF;
	p2 =	slt.u32 s8, $0xFFFFF086  }
0x1c: {  	p1 =	slt.u32 s9, $0xF7A;
	s5 =	simm.s32 @!p2 $0x0  }
0x1d: {  	s5 =	simm.s32 @p1 $0x1;
	p0 =	seq.s32 s7, s2  }
0x1e: {  	s7 =	smul.u32 @!p0 $0xF7A, s2;
	p2 =	seq.s32 @!p0 s5, $0x0  }
0x1f: {  	s9 =	smul.u32 $0xF7A, s1;
	s8 =	simm.s32 @!p0 $0x1BF5;
	p2 =	por !p2, p0  }
0x20: {  	[sflag:s8] =	ssyncset.s32 @!p0 $0xFFFFF086;
	s6 =	sadd.s32 @!p0 s3, s7;
	s7 =	simm.s32 @!p0 $0x108  }
0x21: {  	s3 =	sadd.s32 s3, s9;
	s6 =	sadd.s32 @!p0 $0x88, s6;
	s7 =	simm.s32 @p2 $0x1082  }
0x22: {  	[simem:s7], [sflag:s8] =	dma.local @!p0 [hbm:s6], $0xF7A  }
0x23: {  	s9 =	sor.u32 $0xD0000000, s2;
	s6 =	simm.s32 $0x108;
	_ =	swait.ge @!p0 [sflag:s8], $0x0  }
0x24: {  	s3 =	sadd.s32 $0x88, s3;
	s6 =	simm.s32 @!p1 $0x1082;
	[sflag:s4] =	ssyncset.s32 $0xFFFFF086  }
0x25: {  	[simem:s6], [sflag:s4] =	dma.local [hbm:s3], $0xF7A  }
0x26: {  	[smem:$0x3F93] =	sst s1;
	(tag) =	ssettag s2;
	_ =	strace s9  }
0x27: {  	s1 =	sld [smem:$0x3FA3]  }
0x28: {  	s2 =	sld [smem:$0x3FA4]  }
0x29: {  	s4 =	sld [smem:$0x3FA6]  }
0x2a: {  	p0 =	seq.s32 s5, $0x0;
	s5 =	sld [smem:$0x3FA7]  }
0x2b: {  	s6 =	sld [smem:$0x3FA8]  }
0x2c: {  	s7 =	sld [smem:$0x3FA9]  }
0x2d: {  	s3 =	simm.s32 $0x108;
	s8 =	sld [smem:$0x3FAA]  }
0x2e: {  	s3 =	simm.s32 @!p0 $0x1082;
	s9 =	sld [smem:$0x3FAB]  }
0x2f: {  	lr =	sadd.s32 s0, s3;
	s0 =	sld [smem:$0x3FA2]  }
0x30: {  	s3 =	sld [smem:$0x3FA5]  }
0x31: {  	[smem:$0x3FAE] =	sst s10  }
0x32: {  	s10 =	sld [smem:$0x3FAC];
	_ =	sdelay $0x3  }
0x33: {  	p0 =	seq.s32 s10, $0x1;
	s10 =	sld [smem:$0x3FAE];
	_ =	sdelay $0x3  }
0x34: {  	[smem:$0x3FAE] =	sst s10  }
0x35: {  	s10 =	sld [smem:$0x3FAD];
	_ =	sdelay $0x3  }
0x36: {  	p1 =	seq.s32 s10, $0x1;
	s10 =	sld [smem:$0x3FAE];
	_ =	sdelay $0x3  }
0x37: {  	[smem:$0x3FAE] =	sst s10  }
0x38: {  	s10 =	sld [smem:$0x3FAF]  }
0x39: {  	_ = 	snop;
	(pc) =	sbr.ind lr, $3  }
0x3a: {  	_ = 	snop  }
0x3b: {  	_ = 	snop  }
0x3c: {  	p2 =	seq.s32 s10, $0x1;
	s10 =	sld [smem:$0x3FAE]  }
0x3d: {  	_ =	shalt  }
0x3e: {  	_ =	shalt  }
0x3f: {  	_ =	shalt  }
0x40: {  	_ =	shalt  }
0x41: {  	_ =	shalt  }
0x42: {  	_ =	shalt  }
0x43: {  	_ =	shalt  }
0x44: {  	_ =	shalt  }
0x45: {  	_ =	shalt  }
0x46: {  	_ =	shalt  }
0x47: {  	_ =	shalt  }
0x48: {  	_ =	shalt  }
0x49: {  	_ =	shalt  }
0x4a: {  	_ =	shalt  }
0x4b: {  	_ =	shalt  }
0x4c: {  	_ =	shalt  }
0x4d: {  	_ =	shalt  }
0x4e: {  	_ =	shalt  }
0x4f: {  	_ =	shalt  }
0x50: {  	_ =	shalt  }
0x51: {  	_ =	shalt  }
0x52: {  	_ =	shalt  }
0x53: {  	_ =	shalt  }
0x54: {  	_ =	shalt  }
0x55: {  	_ =	shalt  }
0x56: {  	_ =	shalt  }
0x57: {  	_ =	shalt  }
0x58: {  	_ =	shalt  }
0x59: {  	_ =	shalt  }
0x5a: {  	_ =	shalt  }
0x5b: {  	_ =	shalt  }
0x5c: {  	_ =	shalt  }
0x5d: {  	_ =	shalt  }
0x5e: {  	_ =	shalt  }
0x5f: {  	_ =	shalt  }
0x60: {  	_ =	shalt  }
0x61: {  	_ =	shalt  }
0x62: {  	_ =	shalt  }
0x63: {  	_ =	shalt  }
0x64: {  	_ =	shalt  }
0x65: {  	_ =	shalt  }
0x66: {  	_ =	shalt  }
0x67: {  	_ =	shalt  }
0x68: {  	_ =	shalt  }
0x69: {  	_ =	shalt  }
0x6a: {  	_ =	shalt  }
0x6b: {  	_ =	shalt  }
0x6c: {  	_ =	shalt  }
0x6d: {  	_ =	shalt  }
0x6e: {  	_ =	shalt  }
0x6f: {  	_ =	shalt  }
0x70: {  	_ =	shalt  }
0x71: {  	_ =	shalt  }
0x72: {  	_ =	shalt  }
0x73: {  	_ =	shalt  }
0x74: {  	_ =	shalt  }
0x75: {  	_ =	shalt  }
0x76: {  	_ =	shalt  }
0x77: {  	_ =	shalt  }
0x78: {  	_ =	shalt  }
0x79: {  	_ =	shalt  }
0x7a: {  	_ =	shalt  }
0x7b: {  	_ =	shalt  }
0x7c: {  	_ =	shalt  }
0x7d: {  	_ =	shalt  }
0x7e: {  	_ =	shalt  }
0x7f: {  	_ =	shalt  }
0x80: {  	_ =	shalt  }
0x81: {  	_ =	shalt  }
0x82: {  	_ =	shalt  }
0x83: {  	_ =	shalt  }
0x84: {  	_ =	shalt  }
0x85: {  	_ =	shalt  }
0x86: {  	_ =	shalt  }
0x87: {  	_ =	shalt  }
.Lfunc_end0:
.L_simem_size_0:
called_computation.1_lowered:
.L_overlay_start_0:
0x88: {  	s2 =	sld [smem:$0x3FD9]  }
0x89: {  	s3 =	sld [smem:$0x3FFE];
	_ =	sdelay $0x1  }
0x8a: {  	s1 =	srdreg.scid  }
0x8b: {  	s0 =	sand.u32 $0x1, s1  }
0x8c: {  	s16 =	sshll.u32 s0, $0xA;
	s2 =	sadd.s32 s3, s2  }
0x8d: {  	s2 =	sadd.s32 s2, s16  }
0x8e: {  	[smem:$0x3FBA] =	sst s2  }
0x8f: {  	_ = 	snop  }
0x90: {  	(tm) =	ssettm $0x1  }
0x91: {  	s17 =	sld [smem:$0x3FFB];
	_ =	sdelay $0x3  }
0x92: {  	_ =	strace s17  }
0x93: {  	s2 =	sld [smem:$0x3FFC];
	_ =	sdelay $0x3  }
0x94: {  	_ =	strace s2  }
0x95: {  	s2 =	sld [smem:$0x3FFD];
	_ =	sdelay $0x3  }
0x96: {  	_ =	strace s2  }
0x97: {  	_ =	strace $0x8FFFFFFF  }
0x98: {  	s18 =	sld [smem:$0x3FDB];
	_ =	sdelay $0x1  }
0x99: {  	s19 =	simm.s32 $_scs_section_size  }
0x9a: {  	s4 =	simm.s32 $_size__tile_overlayer_lowered;
	s5 =	simm.s32 $_tile_overlayer_lowered  }
0x9b: {  	s22 =	simm.s32 $0x1BFF;
	s21 =	sshll.u32 s5, $0x1;
	s2 =	sadd.s32 s19, s18  }
0x9c: {  	s6 =	simm.s32 $0x0;
	s20 =	sshll.u32 s4, $0x1;
	s4 =	sadd.s32 s21, s2  }
0x9d: {  	[timem:s6], [sflag:s22] =	dma.local [hbm:s4], s20  }
0x9e: {  	_ =	swait.ge [sflag:s22], s20  }
0x9f: {  	s3 =	ssub.s32 $0x0, s20;
	[sflag:s22] =	ssyncset.done $0x0  }
0xa0: {  	[sflag:s22] =	ssyncadd.s32 s3;
	_ =	sdelay $0x1  }
0xa1: {  	s23 =	simm.s32 $0x1B8B  }
0xa2: {  	_ =	swait.ge [sflag:s23], $0x1  }
0xa3: {  	[sflag:s23] =	ssyncset.done $0x0  }
0xa4: {  	s25 =	simm.s32 $0x1B8E;
	s24 =	sld [smem:$0x3FFE];
	[sflag:s23] =	ssyncadd.s32 $0xFFFFFFFF  }
0xa5: {  	s26 =	simm.s32 $execute0_lowered;
	[smem:$0x3FD2] =	sst s25  }
0xa6: {  	s4 =	sshll.u32 s26, $0x1;
	_ =	strace $0x80000049;
	[dreg:$0x1] =	wrdreg $0xFFFFFFFF  }
0xa7: {  	s28 =	simm.s32 $_size_execute0_lowered;
	s2 =	sadd.s32 s2, s4;
	[dreg:$0x0] =	wrdreg $0x0  }
0xa8: {  	s4 =	sshll.u32 s28, $0x1;
	[dreg:$0x2] =	wrdreg s2  }
0xa9: {  	[dreg:$0x3] =	wrdreg s4  }
0xaa: {  	[dreg:$0x4] =	wrdreg $0xC0  }
0xab: {  	_ =	task [dreg:s6], $0x5FFFF  }
0xac: {  	[dreg:$0x1] =	wrdreg $0xFFFFFFFF  }
0xad: {  	[dreg:$0x0] =	wrdreg $0x60  }
0xae: {  	[dreg:$0x2] =	wrdreg s24  }
0xaf: {  	[dreg:$0x3] =	wrdreg $0xA8000  }
0xb0: {  	[dreg:$0x4] =	wrdreg $0x9  }
0xb1: {  	_ =	task.clear_ibuf [dreg:s6], $0x5FFFF;
	_ =	strace $0x90000049  }
0xb2: {  	s29 =	simm.s32 $0x9;
	_ =	strace $0x8000004B  }
0xb3: {  	_ =	swait.ge [sflag:s29], $0x1  }
0xb4: {  	[sflag:s29] =	ssyncadd.s32 $0xFFFFFFFF  }
0xb5: {  	_ =	strace $0x9000004B  }
0xb6: {  	_ =	sfence  }
0xb7: {  	s30 =	sld [smem:$0x0];
	_ =	sdelay $0x2  }
0xb8: {  	s31 =	sshll.u32 s1, $0xD;
	s1 =	sshrl.u32 s1, $0x2  }
0xb9: {  	s3 =	sand.u32 $0x4000, s31;
	s1 =	sadd.s32 s1, s30  }
0xba: {  	s0 =	sor.u32 s3, s0;
	s1 =	sshll.u32 s1, $0x11  }
0xbb: {  	s0 =	sor.u32 s1, s0  }
0xbc: {  	s0 =	sadd.s32 $0x8F2B, s0  }
0xbd: {  	[sflag:s0] =	ssyncadd.remote.s32 $0x1  }
0xbe: {  	_ =	sfence.sel $0xFFFF  }
0xbf: {  	[dreg:$0x0] =	wrdreg $0xFFFFFFFF;
	(pc) =	sbr.abs _section_cstart, $3  }
0xc0: {  	[dreg:$0x1] =	wrdreg $0xFFFFFFFF  }
0xc1: {  	_ =	task.clear_ibuf [dreg:s6], $0x2FFFF;
	_ =	strace $0x9FFFFFFF  }
0xc2: {  	(tm) =	ssettm $0x7FFFFFFF  }
0xc3: {  	_ =	shalt  }
tec
execute0_lowered:
.L_overlay_start_1:
0x0: {  	(tag) =	ssettag $0x1  }
0x1: {  	s7 =	rddreg [dreg:$0x0]  }
0x2: {  	s1 =	rddreg [dreg:$0x1]  }
0x3: {  	s0 =	rddreg [dreg:$0x2]  }
0x4: {  	s3 =	simm.s32 $0x0;
	s2 =	srdreg.scid;
	s16 =	simm.s32 $0x2800  }
0x5: {  	s17 =	simm.s32 $0x1;
	s18 =	simm.s32 $0x6800;
	s19 =	simm.s32 $0x2  }
0x6: {  	s20 =	simm.s32 $0x1380;
	s21 =	simm.s32 $0x2700;
	s8 =	sand.u32 $0x1, s2  }
0x7: {  	s22 =	simm.s32 $0x2780;
	s2 =	stileid.u32;
	s9 =	smul.u32 $0x140000, s8  }
0x8: {  	[smem:$0x7FF] =	sst s3;
	s4 =	sadd.s32 $0x85200, s7;
	s10 =	smul.u32 $0x14000, s2  }
0x9: {  	s5 =	sadd.s32 $0x21200, s7;
	s6 =	sadd.s32 $0x3200, s7;
	s11 =	smul.u32 $0x50000, s2  }
0xa: {  	_ =	strace $0x8000004A;
	s24 =	ssub.s32 $0x2, s8;
	s12 =	smul.u32 $0x28000, s8  }
0xb: {  	s14 =	smul.u32 $0x2800, s2;
	s25 =	sshll.u32 s8, $0x4;
	s31 =	sshll.u32 s2, $0x6  }
0xc: {  	s13 =	sshrl.u32 s24, $0x1;
	s26 =	sor.u32 s2, s25;
	s8 =	sor.u32 $0x1C03, s31  }
0xd: {  	s9 =	sadd.s32 s10, s9;
	s13 =	ssub.s32 s24, s13;
	s28 =	sshrl.u32 s11, $0x2  }
0xe: {  	s29 =	sadd.s32 s14, s12;
	s14 =	simm.s32 $0x1400;
	s9 =	sshrl.u32 s9, $0x3  }
0xf: {  	s30 =	sadd.s32 s28, s1;
	s11 =	smax.u32 s13, $0x1;
	s13 =	simm.s32 $0x3  }
0x10: {  	s15 =	sadd.s32 s9, s7;
	s7 =	sadd.s32 s4, s29;
	s9 =	smul.u32 $0x5000, s26  }
0x11: {  	s12 =	sshrl.u32 s30, $0x3;
	s10 =	sadd.s32 $0xD5200, s15;
	s15 =	simm.s32 $0x80  }
.LBB2_1:
0x12: {  	[spmem:s12], [sflag:s8] =	dma.local [hbm:s7], $0x2800  }
0x13: {  	_ =	swait.ge [sflag:s13], $0x2800  }
0x14: {  	[sflag:s13] =	ssyncset.done $0x0  }
0x15: {  	[sflag:s13] =	ssyncadd.s32 $0xFFFFD800  }
0x16: {  	s23 =	simm.s32 $0x0;
	[bflag:$0x0] =	sbarrier.arrive $0xFFFF  }
.LBB2_2:
0x17: {  	s24 =	smul.u32 $0x1400, s23;
	_ =	sdelay $0x1  }
0x18: {  	s24 =	sadd.s32 s9, s24  }
0x19: {  	s24 =	sshrl.u32 s24, $0x3  }
0x1a: {  	s26 =	simm.s32 $0x0;
	s25 =	sadd.s32 s5, s24  }
0x1b: {  	[tilespmem:s26], [sflag:$0x3] =	stream.linear.gather [hbm4b:s25+s26], $0x1400, $0x38;
	[tilespmem:$0x1E800] =	vst v63  }
0x1c: {  	_ =	swait.ge [sflag:s13], $0x1400  }
0x1d: {  	[sflag:s13] =	ssyncset.done $0x0  }
0x1e: {  	s24 =	sadd.s32 s6, s24;
	[sflag:s13] =	ssyncadd.s32 $0xFFFFEC00  }
0x1f: {  	[tilespmem:s14], [sflag:$0x3] =	stream.linear.gather [hbm4b:s24+s26], $0x1400, $0x38;
	[tilespmem:$0x1E800] =	vst v63  }
0x20: {  	_ =	swait.ge [sflag:s13], $0x1400  }
0x21: {  	[sflag:s13] =	ssyncset.done $0x0  }
0x22: {  	[sflag:s13] =	ssyncadd.s32 $0xFFFFEC00  }
0x23: {  	[tilespmem:s16], [sflag:$0x1] =	stream.indirect.gather [hbm4b:s4+s15], $0x80, s26, s15, $0xb8;
	[tilespmem:$0x1E800] =	vst v63  }
0x24: {  	_ =	swait.ge [sflag:s17], $0x4000  }
0x25: {  	[sflag:s17] =	ssyncset.done $0x0  }
0x26: {  	s28 =	simm.s32 $0x80;
	[sflag:s17] =	ssyncadd.s32 $0xFFFFC000  }
0x27: {  	[tilespmem:s18], [sflag:$0x2] =	stream.indirect.gather [hbm4b:s4+s15], $0x80, s28, s15, $0xb8;
	[tilespmem:$0x1E800] =	vst v63  }
0x28: {  	s29 =	simm.s32 $0x1400  }
0x29: {  	[spmem:s1] =	stream.indirect.scatter.add.f32 [tilespmem:s16], [sflag:$0x3], $0x80, s29, s15, $0xb8;
	[tilespmem:$0x1E800] =	vst v63  }
0x2a: {  	_ =	swait.ge [sflag:s13], $0x4000  }
0x2b: {  	[sflag:s13] =	ssyncset.done $0x0  }
0x2c: {  	[sflag:s13] =	ssyncadd.s32 $0xFFFFC000  }
0x2d: {  	_ =	swait.ge [sflag:s19], $0x4000  }
0x2e: {  	[sflag:s19] =	ssyncset.done $0x0  }
0x2f: {  	s30 =	simm.s32 $0x100;
	[sflag:s19] =	ssyncadd.s32 $0xFFFFC000  }
0x30: {  	[tilespmem:s16], [sflag:$0x1] =	stream.indirect.gather [hbm4b:s4+s15], $0x80, s30, s15, $0xb8;
	[tilespmem:$0x1E800] =	vst v63  }
0x31: {  	s31 =	simm.s32 $0x1480  }
0x32: {  	[spmem:s1] =	stream.indirect.scatter.add.f32 [tilespmem:s18], [sflag:$0x3], $0x80, s31, s15, $0xb8;
	[tilespmem:$0x1E800] =	vst v63  }
0x33: {  	_ =	swait.ge [sflag:s13], $0x4000  }
0x34: {  	s24 =	simm.s32 $0x400;
	[sflag:s13] =	ssyncset.done $0x0  }
.LBB2_3:
0x35: {  	p0 =	sne.s32 s24, $0x4800  }
0x36: {  	[sflag:s13] =	ssyncadd.s32 $0xFFFFC000;
	s25 =	smov.u32 s24;
	s24 =	sadd.s32 $0x400, s24  }
0x37: {  	_ = 	snop  }
0x38: {  	_ =	swait.ge [sflag:s17], $0x4000  }
0x39: {  	s25 =	sshra.s32 s25, $0x2;
	[sflag:s17] =	ssyncset.done $0x0  }
0x3a: {  	s26 =	sadd.s32 $0x80, s25;
	[sflag:s17] =	ssyncadd.s32 $0xFFFFC000  }
0x3b: {  	[tilespmem:s18], [sflag:$0x2] =	stream.indirect.gather [hbm4b:s4+s15], $0x80, s26, s15, $0xb8;
	[tilespmem:$0x1E800] =	vst v63  }
0x3c: {  	s26 =	sadd.s32 $0x1400, s25  }
0x3d: {  	[spmem:s1] =	stream.indirect.scatter.add.f32 [tilespmem:s16], [sflag:$0x3], $0x80, s26, s15, $0xb8;
	[tilespmem:$0x1E800] =	vst v63  }
0x3e: {  	_ =	swait.ge [sflag:s13], $0x4000  }
0x3f: {  	[sflag:s13] =	ssyncset.done $0x0  }
0x40: {  	[sflag:s13] =	ssyncadd.s32 $0xFFFFC000  }
0x41: {  	_ =	swait.ge [sflag:s19], $0x4000  }
0x42: {  	[sflag:s19] =	ssyncset.done $0x0  }
0x43: {  	s26 =	sadd.s32 $0x100, s25;
	[sflag:s19] =	ssyncadd.s32 $0xFFFFC000  }
0x44: {  	[tilespmem:s16], [sflag:$0x1] =	stream.indirect.gather [hbm4b:s4+s15], $0x80, s26, s15, $0xb8;
	[tilespmem:$0x1E800] =	vst v63  }
.Ltmp0:
0x45: {  	_ = 	snop;
	(pc) =	sbr.rel @p0 .LBB2_3-.Ltmp0, $4  }
0x46: {  	s25 =	sadd.s32 $0x1480, s25  }
0x47: {  	[spmem:s1] =	stream.indirect.scatter.add.f32 [tilespmem:s18], [sflag:$0x3], $0x80, s25, s15, $0xb8;
	[tilespmem:$0x1E800] =	vst v63  }
0x48: {  	_ =	swait.ge [sflag:s13], $0x4000  }
0x49: {  	[sflag:s13] =	ssyncset.done $0x0  }
0x4a: {  	[sflag:s13] =	ssyncadd.s32 $0xFFFFC000  }
0x4b: {  	_ =	swait.ge [sflag:s17], $0x4000  }
0x4c: {  	[sflag:s17] =	ssyncset.done $0x0  }
0x4d: {  	[sflag:s17] =	ssyncadd.s32 $0xFFFFC000  }
0x4e: {  	[tilespmem:s18], [sflag:$0x2] =	stream.indirect.gather [hbm4b:s4+s15], $0x80, s20, s15, $0xb8;
	[tilespmem:$0x1E800] =	vst v63  }
0x4f: {  	_ = 	snop  }
0x50: {  	[spmem:s1] =	stream.indirect.scatter.add.f32 [tilespmem:s16], [sflag:$0x3], $0x80, s21, s15, $0xb8;
	[tilespmem:$0x1E800] =	vst v63  }
0x51: {  	_ =	swait.ge [sflag:s13], $0x4000  }
0x52: {  	[sflag:s13] =	ssyncset.done $0x0  }
0x53: {  	[sflag:s13] =	ssyncadd.s32 $0xFFFFC000  }
0x54: {  	s23 =	sadd.s32 $0x1, s23;
	_ =	swait.ge [sflag:s19], $0x4000  }
0x55: {  	p0 =	sne.s32 s23, $0x4;
	[sflag:s19] =	ssyncset.done $0x0  }
.Ltmp1:
0x56: {  	[sflag:s19] =	ssyncadd.s32 $0xFFFFC000;
	(pc) =	sbr.rel @p0 .LBB2_2-.Ltmp1, $4  }
0x57: {  	[spmem:s1] =	stream.indirect.scatter.add.f32 [tilespmem:s18], [sflag:$0x3], $0x80, s22, s15, $0xb8;
	[tilespmem:$0x1E800] =	vst v63  }
0x58: {  	_ =	swait.ge [sflag:s13], $0x4000  }
0x59: {  	[sflag:s13] =	ssyncset.done $0x0  }
0x5a: {  	[sflag:s13] =	ssyncadd.s32 $0xFFFFC000  }
0x5b: {  	s3 =	sadd.s32 $0x1, s3  }
0x5c: {  	p0 =	sne.s32 s3, s11  }
.Ltmp2:
0x5d: {  	[bflag:$0x0] =	sbarrier.arrive $0xFFFF;
	(pc) =	sbr.rel @p0 .LBB2_1-.Ltmp2, $4  }
0x5e: {  	[hbm:s10], [sflag:s8] =	dma.local [spmem:s12], $0x2800  }
0x5f: {  	_ =	swait.ge [sflag:s13], $0x2800  }
0x60: {  	[sflag:s13] =	ssyncset.done $0x0  }
0x61: {  	[sflag:s13] =	ssyncadd.s32 $0xFFFFD800  }
0x62: {  	_ =	sfence.sel $0x180000  }
0x63: {  	[bflag:$0x0] =	sbarrier.arrive $0xFFFF  }
0x64: {  	p0 =	sne.s32 s2, $0x0;
	_ =	strace $0x9000004A  }
0x65: {  	s0 =	sadd.s32 @!p0 $0x100000, s0;
	[bflag:$0x2] =	sbarrier.arrive $0xFFFF  }
0x66: {  	[sflag:s0] =	ssyncadd.tile.s32 @!p0 $0x1;
	_ =	shalt  }
.Lfunc_end2:
_tile_overlayer_lowered:
.L_overlay_start_2:
0x67: {  	(tag) =	ssettag $0x2  }
0x68: {  	s0 =	rddreg [dreg:$0x0];
	s2 =	stileid.u32  }
0x69: {  	s1 =	rddreg [dreg:$0x1];
	p0 =	sne.s32 s2, $0x0  }
0x6a: {  	s3 =	rddreg [dreg:$0x2];
	[bflag:$0x3] =	sbarrier.arrive $0xFFFF;
	s2 =	simm.s32 @!p0 $0x1C03  }
0x6b: {  	[timem:s3], [sflag:s2] =	dma.local @!p0 [hbm:s0], s1  }
0x6c: {  	s0 =	simm.s32 @!p0 $0x3  }
0x6d: {  	_ =	swait.ge @!p0 [sflag:s0], s1  }
0x6e: {  	s1 =	ssub.s32 @!p0 $0x0, s1;
	[sflag:s0] =	ssyncset.done @!p0 $0x0  }
0x6f: {  	[sflag:s0] =	ssyncadd.s32 @!p0 s1  }
0x70: {  	[bflag:$0x3] =	sbarrier.arrive $0xFFFF  }
0x71: {  	_ =	shalt  }

// kernel: kernel.14.cloned.1.call-start
scs
__scs_entry_jumppad:
0x0: {  	(pc) =	sbr.rel $0x88, $3  }
0x1: {  	(tag) =	ssettag $0x0;
	lr =	simm.s32 $0x1  }
0x2: {  	[smem:$0x3F93] =	sst lr;
	_ =	strace $0xD0000000  }
0x3: {  	_ = 	snop  }
0x4: {  	_ = 	snop  }
0x5: {  	_ = 	snop  }
0x6: {  	_ = 	snop  }
0x7: {  	_ = 	snop  }
__scs_overlays_trampoline_lowered:
0x8: {  	[smem:$0x3FA2] =	sst s0  }
0x9: {  	[smem:$0x3FA3] =	sst s1  }
0xa: {  	[smem:$0x3FA4] =	sst s2  }
0xb: {  	[smem:$0x3FA5] =	sst s3  }
0xc: {  	[smem:$0x3FA6] =	sst s4  }
0xd: {  	[smem:$0x3FA7] =	sst s5  }
0xe: {  	[smem:$0x3FA8] =	sst s6  }
0xf: {  	[smem:$0x3FA9] =	sst s7  }
0x10: {  	[smem:$0x3FAA] =	sst s8  }
0x11: {  	[smem:$0x3FAB] =	sst s9;
	s0 =	simm.s32 @!p0 $0x0  }
0x12: {  	s1 =	sld [smem:$0x3F91];
	s0 =	simm.s32 @p0 $0x1  }
0x13: {  	[smem:$0x3FAC] =	sst s0;
	s0 =	simm.s32 @!p1 $0x0  }
0x14: {  	s2 =	sld [smem:$0x3F90];
	s0 =	simm.s32 @p1 $0x1  }
0x15: {  	[smem:$0x3FAD] =	sst s0;
	s0 =	simm.s32 @!p2 $0x0  }
0x16: {  	s3 =	sld [smem:$0x3FDB];
	s0 =	simm.s32 @p2 $0x1  }
0x17: {  	s4 =	simm.s32 $0x1BF5;
	[smem:$0x3FAF] =	sst s0  }
0x18: {  	s0 =	sld [smem:$0x3F92];
	_ =	swait.ge [sflag:s4], $0x0  }
0x19: {  	s7 =	sld [smem:$0x3F93]  }
0x1a: {  	s8 =	sadd.s32 $0xFFFFE003, lr  }
0x1b: {  	s9 =	sadd.s32 $0xFFFFFEF7, lr;
	s5 =	simm.s32 $0xFFFFFFFF;
	p2 =	slt.u32 s8, $0xFFFFF086  }
0x1c: {  	p1 =	slt.u32 s9, $0xF7A;
	s5 =	simm.s32 @!p2 $0x0  }
0x1d: {  	s5 =	simm.s32 @p1 $0x1;
	p0 =	seq.s32 s7, s2  }
0x1e: {  	s7 =	smul.u32 @!p0 $0xF7A, s2;
	p2 =	seq.s32 @!p0 s5, $0x0  }
0x1f: {  	s9 =	smul.u32 $0xF7A, s1;
	s8 =	simm.s32 @!p0 $0x1BF5;
	p2 =	por !p2, p0  }
0x20: {  	[sflag:s8] =	ssyncset.s32 @!p0 $0xFFFFF086;
	s6 =	sadd.s32 @!p0 s3, s7;
	s7 =	simm.s32 @!p0 $0x108  }
0x21: {  	s3 =	sadd.s32 s3, s9;
	s6 =	sadd.s32 @!p0 $0x88, s6;
	s7 =	simm.s32 @p2 $0x1082  }
0x22: {  	[simem:s7], [sflag:s8] =	dma.local @!p0 [hbm:s6], $0xF7A  }
0x23: {  	s9 =	sor.u32 $0xD0000000, s2;
	s6 =	simm.s32 $0x108;
	_ =	swait.ge @!p0 [sflag:s8], $0x0  }
0x24: {  	s3 =	sadd.s32 $0x88, s3;
	s6 =	simm.s32 @!p1 $0x1082;
	[sflag:s4] =	ssyncset.s32 $0xFFFFF086  }
0x25: {  	[simem:s6], [sflag:s4] =	dma.local [hbm:s3], $0xF7A  }
0x26: {  	[smem:$0x3F93] =	sst s1;
	(tag) =	ssettag s2;
	_ =	strace s9  }
0x27: {  	s1 =	sld [smem:$0x3FA3]  }
0x28: {  	s2 =	sld [smem:$0x3FA4]  }
0x29: {  	s4 =	sld [smem:$0x3FA6]  }
0x2a: {  	p0 =	seq.s32 s5, $0x0;
	s5 =	sld [smem:$0x3FA7]  }
0x2b: {  	s6 =	sld [smem:$0x3FA8]  }
0x2c: {  	s7 =	sld [smem:$0x3FA9]  }
0x2d: {  	s3 =	simm.s32 $0x108;
	s8 =	sld [smem:$0x3FAA]  }
0x2e: {  	s3 =	simm.s32 @!p0 $0x1082;
	s9 =	sld [smem:$0x3FAB]  }
0x2f: {  	lr =	sadd.s32 s0, s3;
	s0 =	sld [smem:$0x3FA2]  }
0x30: {  	s3 =	sld [smem:$0x3FA5]  }
0x31: {  	[smem:$0x3FAE] =	sst s10  }
0x32: {  	s10 =	sld [smem:$0x3FAC];
	_ =	sdelay $0x3  }
0x33: {  	p0 =	seq.s32 s10, $0x1;
	s10 =	sld [smem:$0x3FAE];
	_ =	sdelay $0x3  }
0x34: {  	[smem:$0x3FAE] =	sst s10  }
0x35: {  	s10 =	sld [smem:$0x3FAD];
	_ =	sdelay $0x3  }
0x36: {  	p1 =	seq.s32 s10, $0x1;
	s10 =	sld [smem:$0x3FAE];
	_ =	sdelay $0x3  }
0x37: {  	[smem:$0x3FAE] =	sst s10  }
0x38: {  	s10 =	sld [smem:$0x3FAF]  }
0x39: {  	_ = 	snop;
	(pc) =	sbr.ind lr, $3  }
0x3a: {  	_ = 	snop  }
0x3b: {  	_ = 	snop  }
0x3c: {  	p2 =	seq.s32 s10, $0x1;
	s10 =	sld [smem:$0x3FAE]  }
0x3d: {  	_ =	shalt  }
0x3e: {  	_ =	shalt  }
0x3f: {  	_ =	shalt  }
0x40: {  	_ =	shalt  }
0x41: {  	_ =	shalt  }
0x42: {  	_ =	shalt  }
0x43: {  	_ =	shalt  }
0x44: {  	_ =	shalt  }
0x45: {  	_ =	shalt  }
0x46: {  	_ =	shalt  }
0x47: {  	_ =	shalt  }
0x48: {  	_ =	shalt  }
0x49: {  	_ =	shalt  }
0x4a: {  	_ =	shalt  }
0x4b: {  	_ =	shalt  }
0x4c: {  	_ =	shalt  }
0x4d: {  	_ =	shalt  }
0x4e: {  	_ =	shalt  }
0x4f: {  	_ =	shalt  }
0x50: {  	_ =	shalt  }
0x51: {  	_ =	shalt  }
0x52: {  	_ =	shalt  }
0x53: {  	_ =	shalt  }
0x54: {  	_ =	shalt  }
0x55: {  	_ =	shalt  }
0x56: {  	_ =	shalt  }
0x57: {  	_ =	shalt  }
0x58: {  	_ =	shalt  }
0x59: {  	_ =	shalt  }
0x5a: {  	_ =	shalt  }
0x5b: {  	_ =	shalt  }
0x5c: {  	_ =	shalt  }
0x5d: {  	_ =	shalt  }
0x5e: {  	_ =	shalt  }
0x5f: {  	_ =	shalt  }
0x60: {  	_ =	shalt  }
0x61: {  	_ =	shalt  }
0x62: {  	_ =	shalt  }
0x63: {  	_ =	shalt  }
0x64: {  	_ =	shalt  }
0x65: {  	_ =	shalt  }
0x66: {  	_ =	shalt  }
0x67: {  	_ =	shalt  }
0x68: {  	_ =	shalt  }
0x69: {  	_ =	shalt  }
0x6a: {  	_ =	shalt  }
0x6b: {  	_ =	shalt  }
0x6c: {  	_ =	shalt  }
0x6d: {  	_ =	shalt  }
0x6e: {  	_ =	shalt  }
0x6f: {  	_ =	shalt  }
0x70: {  	_ =	shalt  }
0x71: {  	_ =	shalt  }
0x72: {  	_ =	shalt  }
0x73: {  	_ =	shalt  }
0x74: {  	_ =	shalt  }
0x75: {  	_ =	shalt  }
0x76: {  	_ =	shalt  }
0x77: {  	_ =	shalt  }
0x78: {  	_ =	shalt  }
0x79: {  	_ =	shalt  }
0x7a: {  	_ =	shalt  }
0x7b: {  	_ =	shalt  }
0x7c: {  	_ =	shalt  }
0x7d: {  	_ =	shalt  }
0x7e: {  	_ =	shalt  }
0x7f: {  	_ =	shalt  }
0x80: {  	_ =	shalt  }
0x81: {  	_ =	shalt  }
0x82: {  	_ =	shalt  }
0x83: {  	_ =	shalt  }
0x84: {  	_ =	shalt  }
0x85: {  	_ =	shalt  }
0x86: {  	_ =	shalt  }
0x87: {  	_ =	shalt  }
.Lfunc_end0:
.L_simem_size_0:
called_computation.2_lowered:
.L_overlay_start_0:
0x88: {  	s2 =	sld [smem:$0x3FD9]  }
0x89: {  	s3 =	sld [smem:$0x3FFE];
	_ =	sdelay $0x1  }
0x8a: {  	s1 =	srdreg.scid  }
0x8b: {  	s0 =	sand.u32 $0x1, s1  }
0x8c: {  	s16 =	sshll.u32 s0, $0xA;
	s2 =	sadd.s32 s3, s2  }
0x8d: {  	s2 =	sadd.s32 s2, s16  }
0x8e: {  	[smem:$0x3FBA] =	sst s2  }
0x8f: {  	_ = 	snop  }
0x90: {  	(tm) =	ssettm $0x1  }
0x91: {  	s17 =	sld [smem:$0x3FFB];
	_ =	sdelay $0x3  }
0x92: {  	_ =	strace s17  }
0x93: {  	s2 =	sld [smem:$0x3FFC];
	_ =	sdelay $0x3  }
0x94: {  	_ =	strace s2  }
0x95: {  	s2 =	sld [smem:$0x3FFD];
	_ =	sdelay $0x3  }
0x96: {  	_ =	strace s2  }
0x97: {  	_ =	strace $0x8FFFFFFF  }
0x98: {  	s18 =	sld [smem:$0x3FDB];
	_ =	sdelay $0x1  }
0x99: {  	s19 =	simm.s32 $_scs_section_size  }
0x9a: {  	s4 =	simm.s32 $_size__tile_overlayer_lowered;
	s5 =	simm.s32 $_tile_overlayer_lowered  }
0x9b: {  	s22 =	simm.s32 $0x1BFF;
	s21 =	sshll.u32 s5, $0x1;
	s2 =	sadd.s32 s19, s18  }
0x9c: {  	s6 =	simm.s32 $0x0;
	s20 =	sshll.u32 s4, $0x1;
	s4 =	sadd.s32 s21, s2  }
0x9d: {  	[timem:s6], [sflag:s22] =	dma.local [hbm:s4], s20  }
0x9e: {  	_ =	swait.ge [sflag:s22], s20  }
0x9f: {  	s3 =	ssub.s32 $0x0, s20;
	[sflag:s22] =	ssyncset.done $0x0  }
0xa0: {  	[sflag:s22] =	ssyncadd.s32 s3;
	_ =	sdelay $0x1  }
0xa1: {  	s23 =	simm.s32 $0x1B8B  }
0xa2: {  	_ =	swait.ge [sflag:s23], $0x1  }
0xa3: {  	[sflag:s23] =	ssyncset.done $0x0  }
0xa4: {  	s25 =	simm.s32 $0x1B8E;
	s24 =	sld [smem:$0x3FFE];
	[sflag:s23] =	ssyncadd.s32 $0xFFFFFFFF  }
0xa5: {  	s26 =	simm.s32 $execute0_lowered;
	[smem:$0x3FD2] =	sst s25  }
0xa6: {  	s4 =	sshll.u32 s26, $0x1;
	_ =	strace $0x8000004C;
	[dreg:$0x1] =	wrdreg $0xFFFFFFFF  }
0xa7: {  	s28 =	simm.s32 $_size_execute0_lowered;
	s2 =	sadd.s32 s2, s4;
	[dreg:$0x0] =	wrdreg $0x0  }
0xa8: {  	s4 =	sshll.u32 s28, $0x1;
	[dreg:$0x2] =	wrdreg s2  }
0xa9: {  	[dreg:$0x3] =	wrdreg s4  }
0xaa: {  	[dreg:$0x4] =	wrdreg $0xC0  }
0xab: {  	_ =	task [dreg:s6], $0x5FFFF  }
0xac: {  	[dreg:$0x1] =	wrdreg $0xFFFFFFFF  }
0xad: {  	[dreg:$0x0] =	wrdreg $0x60  }
0xae: {  	[dreg:$0x2] =	wrdreg s24  }
0xaf: {  	[dreg:$0x3] =	wrdreg $0xA8000  }
0xb0: {  	[dreg:$0x4] =	wrdreg $0x9  }
0xb1: {  	_ =	task.clear_ibuf [dreg:s6], $0x5FFFF;
	_ =	strace $0x9000004C  }
0xb2: {  	s29 =	simm.s32 $0x9;
	_ =	strace $0x8000004E  }
0xb3: {  	_ =	swait.ge [sflag:s29], $0x1  }
0xb4: {  	[sflag:s29] =	ssyncadd.s32 $0xFFFFFFFF  }
0xb5: {  	_ =	strace $0x9000004E  }
0xb6: {  	_ =	sfence  }
0xb7: {  	s30 =	sld [smem:$0x0];
	_ =	sdelay $0x2  }
0xb8: {  	s31 =	sshll.u32 s1, $0xD;
	s1 =	sshrl.u32 s1, $0x2  }
0xb9: {  	s3 =	sand.u32 $0x4000, s31;
	s1 =	sadd.s32 s1, s30  }
0xba: {  	s0 =	sor.u32 s3, s0;
	s1 =	sshll.u32 s1, $0x11  }
0xbb: {  	s0 =	sor.u32 s1, s0  }
0xbc: {  	s0 =	sadd.s32 $0x8F2B, s0  }
0xbd: {  	[sflag:s0] =	ssyncadd.remote.s32 $0x1  }
0xbe: {  	_ =	sfence.sel $0xFFFF  }
0xbf: {  	[dreg:$0x0] =	wrdreg $0xFFFFFFFF;
	(pc) =	sbr.abs _section_cstart, $3  }
0xc0: {  	[dreg:$0x1] =	wrdreg $0xFFFFFFFF  }
0xc1: {  	_ =	task.clear_ibuf [dreg:s6], $0x2FFFF;
	_ =	strace $0x9FFFFFFF  }
0xc2: {  	(tm) =	ssettm $0x7FFFFFFF  }
0xc3: {  	_ =	shalt  }
tec
execute0_lowered:
.L_overlay_start_1:
0x0: {  	(tag) =	ssettag $0x1  }
0x1: {  	s7 =	rddreg [dreg:$0x0]  }
0x2: {  	s1 =	rddreg [dreg:$0x1]  }
0x3: {  	s0 =	rddreg [dreg:$0x2]  }
0x4: {  	s3 =	simm.s32 $0x0;
	s2 =	srdreg.scid;
	s16 =	simm.s32 $0x2800  }
0x5: {  	s17 =	simm.s32 $0x1;
	s18 =	simm.s32 $0x6800;
	s19 =	simm.s32 $0x2  }
0x6: {  	s20 =	simm.s32 $0x1380;
	s21 =	simm.s32 $0x2700;
	s8 =	sand.u32 $0x1, s2  }
0x7: {  	s22 =	simm.s32 $0x2780;
	s2 =	stileid.u32;
	s9 =	smul.u32 $0x140000, s8  }
0x8: {  	[smem:$0x7FF] =	sst s3;
	s4 =	sadd.s32 $0x85200, s7;
	s10 =	smul.u32 $0x14000, s2  }
0x9: {  	s5 =	sadd.s32 $0x21200, s7;
	s6 =	sadd.s32 $0x3200, s7;
	s11 =	smul.u32 $0x50000, s2  }
0xa: {  	_ =	strace $0x8000004D;
	s24 =	ssub.s32 $0x2, s8;
	s12 =	smul.u32 $0x28000, s8  }
0xb: {  	s14 =	smul.u32 $0x2800, s2;
	s25 =	sshll.u32 s8, $0x4;
	s31 =	sshll.u32 s2, $0x6  }
0xc: {  	s13 =	sshrl.u32 s24, $0x1;
	s26 =	sor.u32 s2, s25;
	s8 =	sor.u32 $0x1C03, s31  }
0xd: {  	s9 =	sadd.s32 s10, s9;
	s13 =	ssub.s32 s24, s13;
	s28 =	sshrl.u32 s11, $0x2  }
0xe: {  	s29 =	sadd.s32 s14, s12;
	s14 =	simm.s32 $0x1400;
	s9 =	sshrl.u32 s9, $0x3  }
0xf: {  	s30 =	sadd.s32 s28, s1;
	s11 =	smax.u32 s13, $0x1;
	s13 =	simm.s32 $0x3  }
0x10: {  	s15 =	sadd.s32 s9, s7;
	s7 =	sadd.s32 s4, s29;
	s9 =	smul.u32 $0x5000, s26  }
0x11: {  	s12 =	sshrl.u32 s30, $0x3;
	s10 =	sadd.s32 $0xD5200, s15;
	s15 =	simm.s32 $0x80  }
.LBB2_1:
0x12: {  	[spmem:s12], [sflag:s8] =	dma.local [hbm:s7], $0x2800  }
0x13: {  	_ =	swait.ge [sflag:s13], $0x2800  }
0x14: {  	[sflag:s13] =	ssyncset.done $0x0  }
0x15: {  	[sflag:s13] =	ssyncadd.s32 $0xFFFFD800  }
0x16: {  	s23 =	simm.s32 $0x0;
	[bflag:$0x0] =	sbarrier.arrive $0xFFFF  }
.LBB2_2:
0x17: {  	s24 =	smul.u32 $0x1400, s23;
	_ =	sdelay $0x1  }
0x18: {  	s24 =	sadd.s32 s9, s24  }
0x19: {  	s24 =	sshrl.u32 s24, $0x3  }
0x1a: {  	s26 =	simm.s32 $0x0;
	s25 =	sadd.s32 s5, s24  }
0x1b: {  	[tilespmem:s26], [sflag:$0x3] =	stream.linear.gather [hbm4b:s25+s26], $0x1400, $0x38;
	[tilespmem:$0x1E800] =	vst v63  }
0x1c: {  	_ =	swait.ge [sflag:s13], $0x1400  }
0x1d: {  	[sflag:s13] =	ssyncset.done $0x0  }
0x1e: {  	s24 =	sadd.s32 s6, s24;
	[sflag:s13] =	ssyncadd.s32 $0xFFFFEC00  }
0x1f: {  	[tilespmem:s14], [sflag:$0x3] =	stream.linear.gather [hbm4b:s24+s26], $0x1400, $0x38;
	[tilespmem:$0x1E800] =	vst v63  }
0x20: {  	_ =	swait.ge [sflag:s13], $0x1400  }
0x21: {  	[sflag:s13] =	ssyncset.done $0x0  }
0x22: {  	[sflag:s13] =	ssyncadd.s32 $0xFFFFEC00  }
0x23: {  	[tilespmem:s16], [sflag:$0x1] =	stream.indirect.gather [hbm4b:s4+s15], $0x80, s26, s15, $0xb8;
	[tilespmem:$0x1E800] =	vst v63  }
0x24: {  	_ =	swait.ge [sflag:s17], $0x4000  }
0x25: {  	[sflag:s17] =	ssyncset.done $0x0  }
0x26: {  	s28 =	simm.s32 $0x80;
	[sflag:s17] =	ssyncadd.s32 $0xFFFFC000  }
0x27: {  	[tilespmem:s18], [sflag:$0x2] =	stream.indirect.gather [hbm4b:s4+s15], $0x80, s28, s15, $0xb8;
	[tilespmem:$0x1E800] =	vst v63  }
0x28: {  	s29 =	simm.s32 $0x1400  }
0x29: {  	[spmem:s1] =	stream.indirect.scatter.add.f32 [tilespmem:s16], [sflag:$0x3], $0x80, s29, s15, $0xb8;
	[tilespmem:$0x1E800] =	vst v63  }
0x2a: {  	_ =	swait.ge [sflag:s13], $0x4000  }
0x2b: {  	[sflag:s13] =	ssyncset.done $0x0  }
0x2c: {  	[sflag:s13] =	ssyncadd.s32 $0xFFFFC000  }
0x2d: {  	_ =	swait.ge [sflag:s19], $0x4000  }
0x2e: {  	[sflag:s19] =	ssyncset.done $0x0  }
0x2f: {  	s30 =	simm.s32 $0x100;
	[sflag:s19] =	ssyncadd.s32 $0xFFFFC000  }
0x30: {  	[tilespmem:s16], [sflag:$0x1] =	stream.indirect.gather [hbm4b:s4+s15], $0x80, s30, s15, $0xb8;
	[tilespmem:$0x1E800] =	vst v63  }
0x31: {  	s31 =	simm.s32 $0x1480  }
0x32: {  	[spmem:s1] =	stream.indirect.scatter.add.f32 [tilespmem:s18], [sflag:$0x3], $0x80, s31, s15, $0xb8;
	[tilespmem:$0x1E800] =	vst v63  }
0x33: {  	_ =	swait.ge [sflag:s13], $0x4000  }
0x34: {  	s24 =	simm.s32 $0x400;
	[sflag:s13] =	ssyncset.done $0x0  }
.LBB2_3:
0x35: {  	p0 =	sne.s32 s24, $0x4800  }
0x36: {  	[sflag:s13] =	ssyncadd.s32 $0xFFFFC000;
	s25 =	smov.u32 s24;
	s24 =	sadd.s32 $0x400, s24  }
0x37: {  	_ = 	snop  }
0x38: {  	_ =	swait.ge [sflag:s17], $0x4000  }
0x39: {  	s25 =	sshra.s32 s25, $0x2;
	[sflag:s17] =	ssyncset.done $0x0  }
0x3a: {  	s26 =	sadd.s32 $0x80, s25;
	[sflag:s17] =	ssyncadd.s32 $0xFFFFC000  }
0x3b: {  	[tilespmem:s18], [sflag:$0x2] =	stream.indirect.gather [hbm4b:s4+s15], $0x80, s26, s15, $0xb8;
	[tilespmem:$0x1E800] =	vst v63  }
0x3c: {  	s26 =	sadd.s32 $0x1400, s25  }
0x3d: {  	[spmem:s1] =	stream.indirect.scatter.add.f32 [tilespmem:s16], [sflag:$0x3], $0x80, s26, s15, $0xb8;
	[tilespmem:$0x1E800] =	vst v63  }
0x3e: {  	_ =	swait.ge [sflag:s13], $0x4000  }
0x3f: {  	[sflag:s13] =	ssyncset.done $0x0  }
0x40: {  	[sflag:s13] =	ssyncadd.s32 $0xFFFFC000  }
0x41: {  	_ =	swait.ge [sflag:s19], $0x4000  }
0x42: {  	[sflag:s19] =	ssyncset.done $0x0  }
0x43: {  	s26 =	sadd.s32 $0x100, s25;
	[sflag:s19] =	ssyncadd.s32 $0xFFFFC000  }
0x44: {  	[tilespmem:s16], [sflag:$0x1] =	stream.indirect.gather [hbm4b:s4+s15], $0x80, s26, s15, $0xb8;
	[tilespmem:$0x1E800] =	vst v63  }
.Ltmp0:
0x45: {  	_ = 	snop;
	(pc) =	sbr.rel @p0 .LBB2_3-.Ltmp0, $4  }
0x46: {  	s25 =	sadd.s32 $0x1480, s25  }
0x47: {  	[spmem:s1] =	stream.indirect.scatter.add.f32 [tilespmem:s18], [sflag:$0x3], $0x80, s25, s15, $0xb8;
	[tilespmem:$0x1E800] =	vst v63  }
0x48: {  	_ =	swait.ge [sflag:s13], $0x4000  }
0x49: {  	[sflag:s13] =	ssyncset.done $0x0  }
0x4a: {  	[sflag:s13] =	ssyncadd.s32 $0xFFFFC000  }
0x4b: {  	_ =	swait.ge [sflag:s17], $0x4000  }
0x4c: {  	[sflag:s17] =	ssyncset.done $0x0  }
0x4d: {  	[sflag:s17] =	ssyncadd.s32 $0xFFFFC000  }
0x4e: {  	[tilespmem:s18], [sflag:$0x2] =	stream.indirect.gather [hbm4b:s4+s15], $0x80, s20, s15, $0xb8;
	[tilespmem:$0x1E800] =	vst v63  }
0x4f: {  	_ = 	snop  }
0x50: {  	[spmem:s1] =	stream.indirect.scatter.add.f32 [tilespmem:s16], [sflag:$0x3], $0x80, s21, s15, $0xb8;
	[tilespmem:$0x1E800] =	vst v63  }
0x51: {  	_ =	swait.ge [sflag:s13], $0x4000  }
0x52: {  	[sflag:s13] =	ssyncset.done $0x0  }
0x53: {  	[sflag:s13] =	ssyncadd.s32 $0xFFFFC000  }
0x54: {  	s23 =	sadd.s32 $0x1, s23;
	_ =	swait.ge [sflag:s19], $0x4000  }
0x55: {  	p0 =	sne.s32 s23, $0x4;
	[sflag:s19] =	ssyncset.done $0x0  }
.Ltmp1:
0x56: {  	[sflag:s19] =	ssyncadd.s32 $0xFFFFC000;
	(pc) =	sbr.rel @p0 .LBB2_2-.Ltmp1, $4  }
0x57: {  	[spmem:s1] =	stream.indirect.scatter.add.f32 [tilespmem:s18], [sflag:$0x3], $0x80, s22, s15, $0xb8;
	[tilespmem:$0x1E800] =	vst v63  }
0x58: {  	_ =	swait.ge [sflag:s13], $0x4000  }
0x59: {  	[sflag:s13] =	ssyncset.done $0x0  }
0x5a: {  	[sflag:s13] =	ssyncadd.s32 $0xFFFFC000  }
0x5b: {  	s3 =	sadd.s32 $0x1, s3  }
0x5c: {  	p0 =	sne.s32 s3, s11  }
.Ltmp2:
0x5d: {  	[bflag:$0x0] =	sbarrier.arrive $0xFFFF;
	(pc) =	sbr.rel @p0 .LBB2_1-.Ltmp2, $4  }
0x5e: {  	[hbm:s10], [sflag:s8] =	dma.local [spmem:s12], $0x2800  }
0x5f: {  	_ =	swait.ge [sflag:s13], $0x2800  }
0x60: {  	[sflag:s13] =	ssyncset.done $0x0  }
0x61: {  	[sflag:s13] =	ssyncadd.s32 $0xFFFFD800  }
0x62: {  	_ =	sfence.sel $0x180000  }
0x63: {  	[bflag:$0x0] =	sbarrier.arrive $0xFFFF  }
0x64: {  	p0 =	sne.s32 s2, $0x0;
	_ =	strace $0x9000004D  }
0x65: {  	s0 =	sadd.s32 @!p0 $0x100000, s0;
	[bflag:$0x2] =	sbarrier.arrive $0xFFFF  }
0x66: {  	[sflag:s0] =	ssyncadd.tile.s32 @!p0 $0x1;
	_ =	shalt  }
.Lfunc_end2:
_tile_overlayer_lowered:
.L_overlay_start_2:
0x67: {  	(tag) =	ssettag $0x2  }
0x68: {  	s0 =	rddreg [dreg:$0x0];
	s2 =	stileid.u32  }
0x69: {  	s1 =	rddreg [dreg:$0x1];
	p0 =	sne.s32 s2, $0x0  }
0x6a: {  	s3 =	rddreg [dreg:$0x2];
	[bflag:$0x3] =	sbarrier.arrive $0xFFFF;
	s2 =	simm.s32 @!p0 $0x1C03  }
0x6b: {  	[timem:s3], [sflag:s2] =	dma.local @!p0 [hbm:s0], s1  }
0x6c: {  	s0 =	simm.s32 @!p0 $0x3  }
0x6d: {  	_ =	swait.ge @!p0 [sflag:s0], s1  }
0x6e: {  	s1 =	ssub.s32 @!p0 $0x0, s1;
	[sflag:s0] =	ssyncset.done @!p0 $0x0  }
0x6f: {  	[sflag:s0] =	ssyncadd.s32 @!p0 s1  }
0x70: {  	[bflag:$0x3] =	sbarrier.arrive $0xFFFF  }
0x71: {  	_ =	shalt  }

// kernel: kernel.8.cloned.1.call-start
scs
__scs_entry_jumppad:
0x0: {  	(pc) =	sbr.rel $0x88, $3  }
0x1: {  	(tag) =	ssettag $0x0;
	lr =	simm.s32 $0x1  }
0x2: {  	[smem:$0x3F93] =	sst lr;
	_ =	strace $0xD0000000  }
0x3: {  	_ = 	snop  }
0x4: {  	_ = 	snop  }
0x5: {  	_ = 	snop  }
0x6: {  	_ = 	snop  }
0x7: {  	_ = 	snop  }
__scs_overlays_trampoline_lowered:
0x8: {  	[smem:$0x3FA2] =	sst s0  }
0x9: {  	[smem:$0x3FA3] =	sst s1  }
0xa: {  	[smem:$0x3FA4] =	sst s2  }
0xb: {  	[smem:$0x3FA5] =	sst s3  }
0xc: {  	[smem:$0x3FA6] =	sst s4  }
0xd: {  	[smem:$0x3FA7] =	sst s5  }
0xe: {  	[smem:$0x3FA8] =	sst s6  }
0xf: {  	[smem:$0x3FA9] =	sst s7  }
0x10: {  	[smem:$0x3FAA] =	sst s8  }
0x11: {  	[smem:$0x3FAB] =	sst s9;
	s0 =	simm.s32 @!p0 $0x0  }
0x12: {  	s1 =	sld [smem:$0x3F91];
	s0 =	simm.s32 @p0 $0x1  }
0x13: {  	[smem:$0x3FAC] =	sst s0;
	s0 =	simm.s32 @!p1 $0x0  }
0x14: {  	s2 =	sld [smem:$0x3F90];
	s0 =	simm.s32 @p1 $0x1  }
0x15: {  	[smem:$0x3FAD] =	sst s0;
	s0 =	simm.s32 @!p2 $0x0  }
0x16: {  	s3 =	sld [smem:$0x3FDB];
	s0 =	simm.s32 @p2 $0x1  }
0x17: {  	s4 =	simm.s32 $0x1BF5;
	[smem:$0x3FAF] =	sst s0  }
0x18: {  	s0 =	sld [smem:$0x3F92];
	_ =	swait.ge [sflag:s4], $0x0  }
0x19: {  	s7 =	sld [smem:$0x3F93]  }
0x1a: {  	s8 =	sadd.s32 $0xFFFFE003, lr  }
0x1b: {  	s9 =	sadd.s32 $0xFFFFFEF7, lr;
	s5 =	simm.s32 $0xFFFFFFFF;
	p2 =	slt.u32 s8, $0xFFFFF086  }
0x1c: {  	p1 =	slt.u32 s9, $0xF7A;
	s5 =	simm.s32 @!p2 $0x0  }
0x1d: {  	s5 =	simm.s32 @p1 $0x1;
	p0 =	seq.s32 s7, s2  }
0x1e: {  	s7 =	smul.u32 @!p0 $0xF7A, s2;
	p2 =	seq.s32 @!p0 s5, $0x0  }
0x1f: {  	s9 =	smul.u32 $0xF7A, s1;
	s8 =	simm.s32 @!p0 $0x1BF5;
	p2 =	por !p2, p0  }
0x20: {  	[sflag:s8] =	ssyncset.s32 @!p0 $0xFFFFF086;
	s6 =	sadd.s32 @!p0 s3, s7;
	s7 =	simm.s32 @!p0 $0x108  }
0x21: {  	s3 =	sadd.s32 s3, s9;
	s6 =	sadd.s32 @!p0 $0x88, s6;
	s7 =	simm.s32 @p2 $0x1082  }
0x22: {  	[simem:s7], [sflag:s8] =	dma.local @!p0 [hbm:s6], $0xF7A  }
0x23: {  	s9 =	sor.u32 $0xD0000000, s2;
	s6 =	simm.s32 $0x108;
	_ =	swait.ge @!p0 [sflag:s8], $0x0  }
0x24: {  	s3 =	sadd.s32 $0x88, s3;
	s6 =	simm.s32 @!p1 $0x1082;
	[sflag:s4] =	ssyncset.s32 $0xFFFFF086  }
0x25: {  	[simem:s6], [sflag:s4] =	dma.local [hbm:s3], $0xF7A  }
0x26: {  	[smem:$0x3F93] =	sst s1;
	(tag) =	ssettag s2;
	_ =	strace s9  }
0x27: {  	s1 =	sld [smem:$0x3FA3]  }
0x28: {  	s2 =	sld [smem:$0x3FA4]  }
0x29: {  	s4 =	sld [smem:$0x3FA6]  }
0x2a: {  	p0 =	seq.s32 s5, $0x0;
	s5 =	sld [smem:$0x3FA7]  }
0x2b: {  	s6 =	sld [smem:$0x3FA8]  }
0x2c: {  	s7 =	sld [smem:$0x3FA9]  }
0x2d: {  	s3 =	simm.s32 $0x108;
	s8 =	sld [smem:$0x3FAA]  }
0x2e: {  	s3 =	simm.s32 @!p0 $0x1082;
	s9 =	sld [smem:$0x3FAB]  }
0x2f: {  	lr =	sadd.s32 s0, s3;
	s0 =	sld [smem:$0x3FA2]  }
0x30: {  	s3 =	sld [smem:$0x3FA5]  }
0x31: {  	[smem:$0x3FAE] =	sst s10  }
0x32: {  	s10 =	sld [smem:$0x3FAC];
	_ =	sdelay $0x3  }
0x33: {  	p0 =	seq.s32 s10, $0x1;
	s10 =	sld [smem:$0x3FAE];
	_ =	sdelay $0x3  }
0x34: {  	[smem:$0x3FAE] =	sst s10  }
0x35: {  	s10 =	sld [smem:$0x3FAD];
	_ =	sdelay $0x3  }
0x36: {  	p1 =	seq.s32 s10, $0x1;
	s10 =	sld [smem:$0x3FAE];
	_ =	sdelay $0x3  }
0x37: {  	[smem:$0x3FAE] =	sst s10  }
0x38: {  	s10 =	sld [smem:$0x3FAF]  }
0x39: {  	_ = 	snop;
	(pc) =	sbr.ind lr, $3  }
0x3a: {  	_ = 	snop  }
0x3b: {  	_ = 	snop  }
0x3c: {  	p2 =	seq.s32 s10, $0x1;
	s10 =	sld [smem:$0x3FAE]  }
0x3d: {  	_ =	shalt  }
0x3e: {  	_ =	shalt  }
0x3f: {  	_ =	shalt  }
0x40: {  	_ =	shalt  }
0x41: {  	_ =	shalt  }
0x42: {  	_ =	shalt  }
0x43: {  	_ =	shalt  }
0x44: {  	_ =	shalt  }
0x45: {  	_ =	shalt  }
0x46: {  	_ =	shalt  }
0x47: {  	_ =	shalt  }
0x48: {  	_ =	shalt  }
0x49: {  	_ =	shalt  }
0x4a: {  	_ =	shalt  }
0x4b: {  	_ =	shalt  }
0x4c: {  	_ =	shalt  }
0x4d: {  	_ =	shalt  }
0x4e: {  	_ =	shalt  }
0x4f: {  	_ =	shalt  }
0x50: {  	_ =	shalt  }
0x51: {  	_ =	shalt  }
0x52: {  	_ =	shalt  }
0x53: {  	_ =	shalt  }
0x54: {  	_ =	shalt  }
0x55: {  	_ =	shalt  }
0x56: {  	_ =	shalt  }
0x57: {  	_ =	shalt  }
0x58: {  	_ =	shalt  }
0x59: {  	_ =	shalt  }
0x5a: {  	_ =	shalt  }
0x5b: {  	_ =	shalt  }
0x5c: {  	_ =	shalt  }
0x5d: {  	_ =	shalt  }
0x5e: {  	_ =	shalt  }
0x5f: {  	_ =	shalt  }
0x60: {  	_ =	shalt  }
0x61: {  	_ =	shalt  }
0x62: {  	_ =	shalt  }
0x63: {  	_ =	shalt  }
0x64: {  	_ =	shalt  }
0x65: {  	_ =	shalt  }
0x66: {  	_ =	shalt  }
0x67: {  	_ =	shalt  }
0x68: {  	_ =	shalt  }
0x69: {  	_ =	shalt  }
0x6a: {  	_ =	shalt  }
0x6b: {  	_ =	shalt  }
0x6c: {  	_ =	shalt  }
0x6d: {  	_ =	shalt  }
0x6e: {  	_ =	shalt  }
0x6f: {  	_ =	shalt  }
0x70: {  	_ =	shalt  }
0x71: {  	_ =	shalt  }
0x72: {  	_ =	shalt  }
0x73: {  	_ =	shalt  }
0x74: {  	_ =	shalt  }
0x75: {  	_ =	shalt  }
0x76: {  	_ =	shalt  }
0x77: {  	_ =	shalt  }
0x78: {  	_ =	shalt  }
0x79: {  	_ =	shalt  }
0x7a: {  	_ =	shalt  }
0x7b: {  	_ =	shalt  }
0x7c: {  	_ =	shalt  }
0x7d: {  	_ =	shalt  }
0x7e: {  	_ =	shalt  }
0x7f: {  	_ =	shalt  }
0x80: {  	_ =	shalt  }
0x81: {  	_ =	shalt  }
0x82: {  	_ =	shalt  }
0x83: {  	_ =	shalt  }
0x84: {  	_ =	shalt  }
0x85: {  	_ =	shalt  }
0x86: {  	_ =	shalt  }
0x87: {  	_ =	shalt  }
.Lfunc_end0:
.L_simem_size_0:
called_computation_lowered:
.L_overlay_start_0:
0x88: {  	s2 =	sld [smem:$0x3FD9]  }
0x89: {  	s3 =	sld [smem:$0x3FFE];
	_ =	sdelay $0x1  }
0x8a: {  	s1 =	srdreg.scid  }
0x8b: {  	s0 =	sand.u32 $0x1, s1  }
0x8c: {  	s16 =	sshll.u32 s0, $0xA;
	s2 =	sadd.s32 s3, s2  }
0x8d: {  	s2 =	sadd.s32 s2, s16  }
0x8e: {  	[smem:$0x3FBA] =	sst s2  }
0x8f: {  	_ = 	snop  }
0x90: {  	(tm) =	ssettm $0x1  }
0x91: {  	s17 =	sld [smem:$0x3FFB];
	_ =	sdelay $0x3  }
0x92: {  	_ =	strace s17  }
0x93: {  	s2 =	sld [smem:$0x3FFC];
	_ =	sdelay $0x3  }
0x94: {  	_ =	strace s2  }
0x95: {  	s2 =	sld [smem:$0x3FFD];
	_ =	sdelay $0x3  }
0x96: {  	_ =	strace s2  }
0x97: {  	_ =	strace $0x8FFFFFFF  }
0x98: {  	s18 =	sld [smem:$0x3FDB];
	_ =	sdelay $0x1  }
0x99: {  	s19 =	simm.s32 $_scs_section_size  }
0x9a: {  	s4 =	simm.s32 $_size__tile_overlayer_lowered;
	s5 =	simm.s32 $_tile_overlayer_lowered  }
0x9b: {  	s22 =	simm.s32 $0x1BFF;
	s21 =	sshll.u32 s5, $0x1;
	s2 =	sadd.s32 s19, s18  }
0x9c: {  	s6 =	simm.s32 $0x0;
	s20 =	sshll.u32 s4, $0x1;
	s4 =	sadd.s32 s21, s2  }
0x9d: {  	[timem:s6], [sflag:s22] =	dma.local [hbm:s4], s20  }
0x9e: {  	_ =	swait.ge [sflag:s22], s20  }
0x9f: {  	s3 =	ssub.s32 $0x0, s20;
	[sflag:s22] =	ssyncset.done $0x0  }
0xa0: {  	[sflag:s22] =	ssyncadd.s32 s3;
	_ =	sdelay $0x1  }
0xa1: {  	s23 =	simm.s32 $0x1B8B  }
0xa2: {  	_ =	swait.ge [sflag:s23], $0x1  }
0xa3: {  	[sflag:s23] =	ssyncset.done $0x0  }
0xa4: {  	s25 =	simm.s32 $0x1B8E;
	s24 =	sld [smem:$0x3FFE];
	[sflag:s23] =	ssyncadd.s32 $0xFFFFFFFF  }
0xa5: {  	s26 =	simm.s32 $execute0_lowered;
	[smem:$0x3FD2] =	sst s25  }
0xa6: {  	s4 =	sshll.u32 s26, $0x1;
	_ =	strace $0x80000046;
	[dreg:$0x1] =	wrdreg $0xFFFFFFFF  }
0xa7: {  	s28 =	simm.s32 $_size_execute0_lowered;
	s2 =	sadd.s32 s2, s4;
	[dreg:$0x0] =	wrdreg $0x0  }
0xa8: {  	s4 =	sshll.u32 s28, $0x1;
	[dreg:$0x2] =	wrdreg s2  }
0xa9: {  	[dreg:$0x3] =	wrdreg s4  }
0xaa: {  	[dreg:$0x4] =	wrdreg $0xC0  }
0xab: {  	_ =	task [dreg:s6], $0x5FFFF  }
0xac: {  	[dreg:$0x1] =	wrdreg $0xFFFFFFFF  }
0xad: {  	[dreg:$0x0] =	wrdreg $0x60  }
0xae: {  	[dreg:$0x2] =	wrdreg s24  }
0xaf: {  	[dreg:$0x3] =	wrdreg $0x9  }
0xb0: {  	_ =	task.clear_ibuf [dreg:s6], $0x4FFFF;
	_ =	strace $0x90000046  }
0xb1: {  	s29 =	simm.s32 $0x9;
	_ =	strace $0x80000048  }
0xb2: {  	_ =	swait.ge [sflag:s29], $0x1  }
0xb3: {  	[sflag:s29] =	ssyncadd.s32 $0xFFFFFFFF  }
0xb4: {  	_ =	strace $0x90000048  }
0xb5: {  	_ =	sfence  }
0xb6: {  	s30 =	sld [smem:$0x0];
	_ =	sdelay $0x2  }
0xb7: {  	s31 =	sshll.u32 s1, $0xD;
	s1 =	sshrl.u32 s1, $0x2  }
0xb8: {  	s3 =	sand.u32 $0x4000, s31;
	s1 =	sadd.s32 s1, s30  }
0xb9: {  	s0 =	sor.u32 s3, s0;
	s1 =	sshll.u32 s1, $0x11  }
0xba: {  	s0 =	sor.u32 s1, s0  }
0xbb: {  	s0 =	sadd.s32 $0x8F2B, s0  }
0xbc: {  	[sflag:s0] =	ssyncadd.remote.s32 $0x1  }
0xbd: {  	_ =	sfence.sel $0xFFFF  }
0xbe: {  	[dreg:$0x0] =	wrdreg $0xFFFFFFFF;
	(pc) =	sbr.abs _section_cstart, $3  }
0xbf: {  	[dreg:$0x1] =	wrdreg $0xFFFFFFFF  }
0xc0: {  	_ =	task.clear_ibuf [dreg:s6], $0x2FFFF;
	_ =	strace $0x9FFFFFFF  }
0xc1: {  	(tm) =	ssettm $0x7FFFFFFF  }
tec
execute0_lowered:
.L_overlay_start_1:
0x0: {  	(tag) =	ssettag $0x1  }
0x1: {  	s1 =	srdreg.scid  }
0x2: {  	s0 =	stileid.u32;
	s4 =	rddreg [dreg:$0x0]  }
0x3: {  	s2 =	simm.s32 $0x0;
	s9 =	simm.s32 $0x1;
	s10 =	simm.s32 $0x1400  }
0x4: {  	s11 =	simm.s32 $0x80;
	s12 =	simm.s32 $0x400;
	s3 =	sand.u32 $0x1, s1  }
0x5: {  	s13 =	simm.s32 $0x0;
	s6 =	sshrl.u32 s0, $0x3;
	s5 =	smul.u32 $0x28000, s3  }
0x6: {  	s1 =	rddreg [dreg:$0x1];
	s6 =	smul.u32 $0x14000, s6;
	s7 =	sshll.u32 s3, $0x4  }
0x7: {  	[smem:$0x7FF] =	sst s2;
	s8 =	sshll.u32 s0, $0x7;
	s7 =	sor.u32 s0, s7  }
0x8: {  	s29 =	sand.u32 $0x380, s8;
	s5 =	sadd.s32 s5, s6;
	s7 =	smul.u32 $0x5000, s7  }
0x9: {  	s3 =	ssub.s32 $0x2, s3;
	_ =	strace $0x80000047;
	s5 =	sor.u32 s29, s5  }
0xa: {  	s30 =	sshrl.u32 s3, $0x1;
	s5 =	sshrl.u32 s5, $0x3;
	s7 =	sshrl.u32 s7, $0x3  }
0xb: {  	s6 =	ssub.s32 s3, s30;
	s5 =	sadd.s32 s5, s4;
	s31 =	sadd.s32 s7, s4  }
0xc: {  	s4 =	smax.u32 s6, $0x1;
	s3 =	sadd.s32 $0x17200, s5;
	s5 =	sadd.s32 $0x3200, s31  }
0xd: {  	v0 =	vimm.f32 $0.0e+00;
	v1 =	vimm.f32 $1.000000000e+00;
	s6 =	sadd.s32 $0x3480, s31;
	s7 =	sadd.s32 $0x3700, s31;
	s8 =	sadd.s32 $0x3980, s31  }
.LBB2_1:
0xe: {  	s14 =	simm.s32 $0x40;
	s15 =	simm.s32 $0x0  }
.LBB2_2:
0xf: {  	p0 =	sne.s32 s14, $0x9FC0;
	[tilespmem:s15+$0x1400] =	vst v0;
	s15 =	smov.u32 s14;
	s14 =	sadd.s32 $0x40, s14  }
.Ltmp0:
0x10: {  	(pc) =	sbr.rel @p0 .LBB2_2-.Ltmp0, $2  }
0x11: {  	_ =	sdelay $0x2  }
0x12: {  	s15 =	sshra.s32 s15, $0x2  }
0x13: {  	[tilespmem:s15+$0x1400] =	vst v0  }
0x14: {  	[tilespmem:s2], [sflag:$0x1] =	stream.linear.gather [hbm4b:s5+s2], $0x1400, $0x38;
	[tilespmem:$0x3C00] =	vst v63  }
0x15: {  	_ =	swait.ge [sflag:s9], $0x1400  }
0x16: {  	[sflag:s9] =	ssyncset.done $0x0  }
0x17: {  	s14 =	simm.s32 $0x1C0;
	[sflag:s9] =	ssyncadd.s32 $0xFFFFEC00  }
.LBB2_4:
0x18: {  	s15 =	sshra.s32 s14, $0x2  }
0x19: {  	v2 =	vld [tilespmem:s15+$0xFFFFFF90];
	_ =	sdelay $0x7  }
0x1a: {  	[tilespmem:v2+s10+$0x0] =	vst.idx.add.f32.msk $0xffff, v1  }
0x1b: {  	v2 =	vld [tilespmem:s15+$0xFFFFFFA0];
	_ =	sdelay $0x7  }
0x1c: {  	[tilespmem:v2+s10+$0x0] =	vst.idx.add.f32.msk $0xffff, v1  }
0x1d: {  	v2 =	vld [tilespmem:s15+$0xFFFFFFB0];
	_ =	sdelay $0x7  }
0x1e: {  	[tilespmem:v2+s10+$0x0] =	vst.idx.add.f32.msk $0xffff, v1  }
0x1f: {  	v2 =	vld [tilespmem:s15+$0xFFFFFFC0];
	_ =	sdelay $0x7  }
0x20: {  	[tilespmem:v2+s10+$0x0] =	vst.idx.add.f32.msk $0xffff, v1  }
0x21: {  	v2 =	vld [tilespmem:s15+$0xFFFFFFD0];
	_ =	sdelay $0x7  }
0x22: {  	[tilespmem:v2+s10+$0x0] =	vst.idx.add.f32.msk $0xffff, v1  }
0x23: {  	v2 =	vld [tilespmem:s15+$0xFFFFFFE0];
	_ =	sdelay $0x7  }
0x24: {  	[tilespmem:v2+s10+$0x0] =	vst.idx.add.f32.msk $0xffff, v1  }
0x25: {  	v2 =	vld [tilespmem:s15+$0xFFFFFFF0];
	_ =	sdelay $0x7  }
0x26: {  	[tilespmem:v2+s10+$0x0] =	vst.idx.add.f32.msk $0xffff, v1  }
0x27: {  	v2 =	vld [tilespmem:s15+$0x0];
	_ =	sdelay $0x2  }
0x28: {  	p0 =	sne.s32 s14, $0x4FC0  }
.Ltmp1:
0x29: {  	_ = 	snop;
	(pc) =	sbr.rel @p0 .LBB2_4-.Ltmp1, $2  }
0x2a: {  	_ =	sdelay $0x2  }
0x2b: {  	s14 =	sadd.s32 $0x200, s14;
	[tilespmem:v2+s10+$0x0] =	vst.idx.add.f32.msk $0xffff, v1  }
0x2c: {  	s14 =	simm.s32 $0x0  }
0x2d: {  	[tilespmem:s14], [sflag:$0x1] =	stream.linear.gather [hbm4b:s6+s14], $0x1400, $0x38;
	[tilespmem:$0x3C00] =	vst v63  }
0x2e: {  	_ =	swait.ge [sflag:s9], $0x1400  }
0x2f: {  	[sflag:s9] =	ssyncset.done $0x0  }
0x30: {  	[sflag:s9] =	ssyncadd.s32 $0xFFFFEC00  }
.LBB2_6:
0x31: {  	s15 =	sshra.s32 s14, $0x2  }
0x32: {  	v2 =	vld [tilespmem:s15+$0x0];
	_ =	sdelay $0x7  }
0x33: {  	[tilespmem:v2+s10+$0x0] =	vst.idx.add.f32.msk $0xffff, v1  }
0x34: {  	v2 =	vld [tilespmem:s15+$0x10];
	_ =	sdelay $0x7  }
0x35: {  	[tilespmem:v2+s10+$0x0] =	vst.idx.add.f32.msk $0xffff, v1  }
0x36: {  	v2 =	vld [tilespmem:s15+$0x20];
	_ =	sdelay $0x7  }
0x37: {  	[tilespmem:v2+s10+$0x0] =	vst.idx.add.f32.msk $0xffff, v1  }
0x38: {  	v2 =	vld [tilespmem:s15+$0x30];
	_ =	sdelay $0x7  }
0x39: {  	[tilespmem:v2+s10+$0x0] =	vst.idx.add.f32.msk $0xffff, v1  }
0x3a: {  	v2 =	vld [tilespmem:s15+$0x40];
	_ =	sdelay $0x7  }
0x3b: {  	[tilespmem:v2+s10+$0x0] =	vst.idx.add.f32.msk $0xffff, v1  }
0x3c: {  	v2 =	vld [tilespmem:s15+$0x50];
	_ =	sdelay $0x7  }
0x3d: {  	[tilespmem:v2+s10+$0x0] =	vst.idx.add.f32.msk $0xffff, v1  }
0x3e: {  	v2 =	vld [tilespmem:s15+$0x60];
	_ =	sdelay $0x7  }
0x3f: {  	[tilespmem:v2+s10+$0x0] =	vst.idx.add.f32.msk $0xffff, v1  }
0x40: {  	v2 =	vld [tilespmem:s15+$0x70];
	_ =	sdelay $0x2  }
0x41: {  	p0 =	sne.s32 s14, $0x4E00  }
.Ltmp2:
0x42: {  	_ = 	snop;
	(pc) =	sbr.rel @p0 .LBB2_6-.Ltmp2, $2  }
0x43: {  	_ =	sdelay $0x2  }
0x44: {  	s14 =	sadd.s32 $0x200, s14;
	[tilespmem:v2+s10+$0x0] =	vst.idx.add.f32.msk $0xffff, v1  }
0x45: {  	s14 =	simm.s32 $0x0  }
0x46: {  	[tilespmem:s14], [sflag:$0x1] =	stream.linear.gather [hbm4b:s7+s14], $0x1400, $0x38;
	[tilespmem:$0x3C00] =	vst v63  }
0x47: {  	_ =	swait.ge [sflag:s9], $0x1400  }
0x48: {  	[sflag:s9] =	ssyncset.done $0x0  }
0x49: {  	[sflag:s9] =	ssyncadd.s32 $0xFFFFEC00  }
.LBB2_8:
0x4a: {  	s15 =	sshra.s32 s14, $0x2  }
0x4b: {  	v2 =	vld [tilespmem:s15+$0x0];
	_ =	sdelay $0x7  }
0x4c: {  	[tilespmem:v2+s10+$0x0] =	vst.idx.add.f32.msk $0xffff, v1  }
0x4d: {  	v2 =	vld [tilespmem:s15+$0x10];
	_ =	sdelay $0x7  }
0x4e: {  	[tilespmem:v2+s10+$0x0] =	vst.idx.add.f32.msk $0xffff, v1  }
0x4f: {  	v2 =	vld [tilespmem:s15+$0x20];
	_ =	sdelay $0x7  }
0x50: {  	[tilespmem:v2+s10+$0x0] =	vst.idx.add.f32.msk $0xffff, v1  }
0x51: {  	v2 =	vld [tilespmem:s15+$0x30];
	_ =	sdelay $0x7  }
0x52: {  	[tilespmem:v2+s10+$0x0] =	vst.idx.add.f32.msk $0xffff, v1  }
0x53: {  	v2 =	vld [tilespmem:s15+$0x40];
	_ =	sdelay $0x7  }
0x54: {  	[tilespmem:v2+s10+$0x0] =	vst.idx.add.f32.msk $0xffff, v1  }
0x55: {  	v2 =	vld [tilespmem:s15+$0x50];
	_ =	sdelay $0x7  }
0x56: {  	[tilespmem:v2+s10+$0x0] =	vst.idx.add.f32.msk $0xffff, v1  }
0x57: {  	v2 =	vld [tilespmem:s15+$0x60];
	_ =	sdelay $0x7  }
0x58: {  	[tilespmem:v2+s10+$0x0] =	vst.idx.add.f32.msk $0xffff, v1  }
0x59: {  	v2 =	vld [tilespmem:s15+$0x70];
	_ =	sdelay $0x2  }
0x5a: {  	p0 =	sne.s32 s14, $0x4E00  }
.Ltmp3:
0x5b: {  	_ = 	snop;
	(pc) =	sbr.rel @p0 .LBB2_8-.Ltmp3, $2  }
0x5c: {  	_ =	sdelay $0x2  }
0x5d: {  	s14 =	sadd.s32 $0x200, s14;
	[tilespmem:v2+s10+$0x0] =	vst.idx.add.f32.msk $0xffff, v1  }
0x5e: {  	s14 =	simm.s32 $0x0  }
0x5f: {  	[tilespmem:s14], [sflag:$0x1] =	stream.linear.gather [hbm4b:s8+s14], $0x1400, $0x38;
	[tilespmem:$0x3C00] =	vst v63  }
0x60: {  	_ =	swait.ge [sflag:s9], $0x1400  }
0x61: {  	[sflag:s9] =	ssyncset.done $0x0  }
0x62: {  	[sflag:s9] =	ssyncadd.s32 $0xFFFFEC00  }
.LBB2_10:
0x63: {  	s15 =	sshra.s32 s14, $0x2  }
0x64: {  	v2 =	vld [tilespmem:s15+$0x0];
	_ =	sdelay $0x7  }
0x65: {  	[tilespmem:v2+s10+$0x0] =	vst.idx.add.f32.msk $0xffff, v1  }
0x66: {  	v2 =	vld [tilespmem:s15+$0x10];
	_ =	sdelay $0x7  }
0x67: {  	[tilespmem:v2+s10+$0x0] =	vst.idx.add.f32.msk $0xffff, v1  }
0x68: {  	v2 =	vld [tilespmem:s15+$0x20];
	_ =	sdelay $0x7  }
0x69: {  	[tilespmem:v2+s10+$0x0] =	vst.idx.add.f32.msk $0xffff, v1  }
0x6a: {  	v2 =	vld [tilespmem:s15+$0x30];
	_ =	sdelay $0x7  }
0x6b: {  	[tilespmem:v2+s10+$0x0] =	vst.idx.add.f32.msk $0xffff, v1  }
0x6c: {  	v2 =	vld [tilespmem:s15+$0x40];
	_ =	sdelay $0x7  }
0x6d: {  	[tilespmem:v2+s10+$0x0] =	vst.idx.add.f32.msk $0xffff, v1  }
0x6e: {  	v2 =	vld [tilespmem:s15+$0x50];
	_ =	sdelay $0x7  }
0x6f: {  	[tilespmem:v2+s10+$0x0] =	vst.idx.add.f32.msk $0xffff, v1  }
0x70: {  	v2 =	vld [tilespmem:s15+$0x60];
	_ =	sdelay $0x7  }
0x71: {  	[tilespmem:v2+s10+$0x0] =	vst.idx.add.f32.msk $0xffff, v1  }
0x72: {  	v2 =	vld [tilespmem:s15+$0x70];
	_ =	sdelay $0x2  }
0x73: {  	p0 =	sne.s32 s14, $0x4E00  }
.Ltmp4:
0x74: {  	_ = 	snop;
	(pc) =	sbr.rel @p0 .LBB2_10-.Ltmp4, $2  }
0x75: {  	_ =	sdelay $0x2  }
0x76: {  	s14 =	sadd.s32 $0x200, s14;
	[tilespmem:v2+s10+$0x0] =	vst.idx.add.f32.msk $0xffff, v1  }
0x77: {  	s13 =	sadd.s32 $0x1, s13  }
0x78: {  	p0 =	sne.s32 s13, s4  }
.Ltmp5:
0x79: {  	_ = 	snop;
	(pc) =	sbr.rel @p0 .LBB2_1-.Ltmp5, $4  }
0x7a: {  	[hbm4b:s3+s11] =	stream.strided.scatter [tilespmem:s10], [sflag:$0x1], $0x2800, s12, s11, $0x38;
	[tilespmem:$0x3C00] =	vst v63  }
0x7b: {  	_ =	swait.ge [sflag:s9], $0x2800  }
0x7c: {  	[sflag:s9] =	ssyncset.done $0x0  }
0x7d: {  	[sflag:s9] =	ssyncadd.s32 $0xFFFFD800  }
0x7e: {  	_ =	sfence.sel $0x180000  }
0x7f: {  	[bflag:$0x0] =	sbarrier.arrive $0xFFFF  }
0x80: {  	p0 =	sne.s32 s0, $0x0;
	_ =	strace $0x90000047  }
0x81: {  	s0 =	sadd.s32 @!p0 $0x100000, s1;
	[bflag:$0x2] =	sbarrier.arrive $0xFFFF  }
0x82: {  	[sflag:s0] =	ssyncadd.tile.s32 @!p0 $0x1;
	_ =	shalt  }
.Lfunc_end2:
_tile_overlayer_lowered:
.L_overlay_start_2:
0x83: {  	(tag) =	ssettag $0x2  }
0x84: {  	s0 =	rddreg [dreg:$0x0];
	s2 =	stileid.u32  }
0x85: {  	s1 =	rddreg [dreg:$0x1];
	p0 =	sne.s32 s2, $0x0  }
0x86: {  	s3 =	rddreg [dreg:$0x2];
	[bflag:$0x3] =	sbarrier.arrive $0xFFFF;
	s2 =	simm.s32 @!p0 $0x1C01  }
0x87: {  	[timem:s3], [sflag:s2] =	dma.local @!p0 [hbm:s0], s1  }
0x88: {  	s0 =	simm.s32 @!p0 $0x1  }
0x89: {  	_ =	swait.ge @!p0 [sflag:s0], s1  }
0x8a: {  	s1 =	ssub.s32 @!p0 $0x0, s1;
	[sflag:s0] =	ssyncset.done @!p0 $0x0  }
0x8b: {  	[sflag:s0] =	ssyncadd.s32 @!p0 s1  }
0x8c: {  	[bflag:$0x3] =	sbarrier.arrive $0xFFFF  }
0x8d: {  	_ =	shalt  }

</sc_bundles>
